<compile_context>
chip_gen: v7x
topology: tpu7x:2x2x1
jax: 0.10.2.dev20260603
libtpu: 0.0.44.dev20260713+nightly
codegen_flags: <defaults>
</compile_context>

<pallas_src>
import functools

import jax
import jax.numpy as jnp
from jax import lax
from jax.experimental import pallas as pl
from jax.experimental.pallas import tpu as pltpu
from jax.experimental.pallas import tpu_sc as plsc

N = 10000
E = 320000
D = 128

NC = 2
NS = 16
NW = NC * NS
CH = 128
NPAD = 10240
ROWS_PER_TILE = NPAD // NS
CHUNKS = 80
E_PAD = NW * CH * CHUNKS
BLK = 256


def _pre_body(x_ref, w_ref, asrc_ref, adst_ref, h_ref, s_ref, d_ref,
              wself_ref, selfinit_ref):
    h = jnp.dot(x_ref[...], w_ref[...], preferred_element_type=jnp.float32)
    s = jnp.dot(h, asrc_ref[...], preferred_element_type=jnp.float32)
    d = jnp.dot(h, adst_ref[...], preferred_element_type=jnp.float32)
    e = s + d
    wself = jnp.exp(jnp.where(e >= 0, e, 0.2 * e))
    h_ref[...] = h
    s_ref[...] = s
    d_ref[...] = d
    wself_ref[...] = wself
    selfinit_ref[...] = wself * h


def _post_body(a0_ref, a1_ref, d0_ref, d1_ref, bias_ref, out_ref):
    den = d0_ref[...] + d1_ref[...] + 1e-16
    out_ref[...] = (a0_ref[...] + a1_ref[...]) / den + bias_ref[...]


def _sc_body(src_e, dst_e, s_hbm, d_hbm, h_hbm, selfinit, zeros_nd, wselfp,
             zeros_n, acc_out, den_out,
             s_v, d_v, src_a, dst_a, src_b, dst_b, w_v, rows_v,
             acc_sh, den_sh, isem, gsem, ssem):
    cid = lax.axis_index("c")
    sid = lax.axis_index("s")
    wid = sid * NC + cid
    rbase = sid * ROWS_PER_TILE

    if True:
        @pl.when(cid == 0)
        def _():
            pltpu.sync_copy(selfinit.at[pl.ds(rbase, ROWS_PER_TILE)],
                            acc_sh.at[pl.ds(rbase, ROWS_PER_TILE)])
            pltpu.sync_copy(wselfp.at[pl.ds(rbase, ROWS_PER_TILE)],
                            den_sh.at[pl.ds(rbase, ROWS_PER_TILE)])

        @pl.when(cid != 0)
        def _():
            pltpu.sync_copy(zeros_nd.at[pl.ds(rbase, ROWS_PER_TILE)],
                            acc_sh.at[pl.ds(rbase, ROWS_PER_TILE)])
            pltpu.sync_copy(zeros_n.at[pl.ds(rbase, ROWS_PER_TILE)],
                            den_sh.at[pl.ds(rbase, ROWS_PER_TILE)])

        pltpu.sync_copy(s_hbm, s_v)
        pltpu.sync_copy(d_hbm, d_v)
        plsc.subcore_barrier()

        idx = [(src_a, dst_a), (src_b, dst_b)]

        def idx_load(c, b, sync=False):
            ebase = (wid * CHUNKS + c) * CH
            copy = pltpu.sync_copy if sync else (
                lambda s, d: pltpu.async_copy(s, d, isem))
            copy(src_e.at[pl.ds(ebase, CH)], idx[b][0])
            copy(dst_e.at[pl.ds(ebase, CH)], idx[b][1])

        def idx_wait(c, b):
            ebase = (wid * CHUNKS + c) * CH
            pltpu.make_async_copy(src_e.at[pl.ds(ebase, CH)], idx[b][0],
                                  isem).wait()
            pltpu.make_async_copy(dst_e.at[pl.ds(ebase, CH)], idx[b][1],
                                  isem).wait()

        def step(c, b):
            src_v, dst_v = idx[b]

            @pl.when(c >= 1)
            def _():
                pltpu.make_async_copy(rows_v, acc_sh.at[dst_v],
                                      ssem).wait()
                pltpu.make_async_copy(w_v, den_sh.at[dst_v], ssem).wait()

            @pl.when(c <= CHUNKS - 2)
            def _():
                idx_load(c + 1, 1 - b)

            cp = pltpu.async_copy(h_hbm.at[src_v], rows_v, gsem)
            for g in range(CH // 16):
                si = src_v[pl.ds(g * 16, 16)]
                di = dst_v[pl.ds(g * 16, 16)]
                e = plsc.load_gather(s_v, [si]) + plsc.load_gather(d_v, [di])
                e = jnp.where(e >= 0, e, 0.2 * e)
                w_v[pl.ds(g * 16, 16)] = jnp.exp(e)
            cp.wait()

            def mul_body(i, _):
                wb = plsc.load_gather(w_v, [jnp.full((16,), i, jnp.int32)])
                for j in range(D // 16):
                    rows_v[i, pl.ds(j * 16, 16)] = (
                        rows_v[i, pl.ds(j * 16, 16)] * wb)
                return _

            lax.fori_loop(0, CH, mul_body, 0, unroll=2)
            pltpu.async_copy(rows_v, acc_sh.at[dst_v], ssem, add=True)
            pltpu.async_copy(w_v, den_sh.at[dst_v], ssem, add=True)

            @pl.when(c <= CHUNKS - 2)
            def _():
                idx_wait(c + 1, 1 - b)

        idx_load(0, 0, sync=True)

        def loop_body(c2, carry):
            step(2 * c2, 0)
            step(2 * c2 + 1, 1)
            return carry

        lax.fori_loop(0, CHUNKS // 2, loop_body, 0)
        pltpu.make_async_copy(rows_v, acc_sh.at[dst_b], ssem).wait()
        pltpu.make_async_copy(w_v, den_sh.at[dst_b], ssem).wait()
        plsc.subcore_barrier()

        pltpu.sync_copy(acc_sh.at[pl.ds(rbase, ROWS_PER_TILE)],
                        acc_out.at[cid, pl.ds(rbase, ROWS_PER_TILE)])
        pltpu.sync_copy(den_sh.at[pl.ds(rbase, ROWS_PER_TILE)],
                        den_out.at[cid, pl.ds(rbase, ROWS_PER_TILE)])


@jax.jit
def kernel(x, edge_index, W, att_src, att_dst, bias):
    xp = jnp.zeros((NPAD, D), jnp.float32).at[:N].set(x)

    pre = pl.pallas_call(
        _pre_body,
        grid=(NPAD // BLK,),
        in_specs=[
            pl.BlockSpec((BLK, D), lambda i: (i, 0)),
            pl.BlockSpec((D, D), lambda i: (0, 0)),
            pl.BlockSpec((D, 1), lambda i: (0, 0)),
            pl.BlockSpec((D, 1), lambda i: (0, 0)),
        ],
        out_specs=[
            pl.BlockSpec((BLK, D), lambda i: (i, 0)),
            pl.BlockSpec((BLK, 1), lambda i: (i, 0)),
            pl.BlockSpec((BLK, 1), lambda i: (i, 0)),
            pl.BlockSpec((BLK, 1), lambda i: (i, 0)),
            pl.BlockSpec((BLK, D), lambda i: (i, 0)),
        ],
        out_shape=[
            jax.ShapeDtypeStruct((NPAD, D), jnp.float32),
            jax.ShapeDtypeStruct((NPAD, 1), jnp.float32),
            jax.ShapeDtypeStruct((NPAD, 1), jnp.float32),
            jax.ShapeDtypeStruct((NPAD, 1), jnp.float32),
            jax.ShapeDtypeStruct((NPAD, D), jnp.float32),
        ],
    )(xp, W, att_src.reshape(D, 1), att_dst.reshape(D, 1))
    h, s2, d2, wself2, selfinit = pre

    pad_ar = jnp.arange(E_PAD - E, dtype=jnp.int32)
    src_p = jnp.concatenate([edge_index[0], pad_ar % N])
    dst_p = jnp.concatenate([edge_index[1], N + pad_ar % (NPAD - N)])

    sc_kernel = pl.kernel(
        _sc_body,
        out_type=[
            jax.ShapeDtypeStruct((NC, NPAD, D), jnp.float32),
            jax.ShapeDtypeStruct((NC, NPAD), jnp.float32),
        ],
        mesh=plsc.VectorSubcoreMesh(
            core_axis_name="c", subcore_axis_name="s",
            num_cores=NC, num_subcores=NS),
        compiler_params=pltpu.CompilerParams(needs_layout_passes=False),
        scratch_types=[
            pltpu.VMEM((NPAD,), jnp.float32),
            pltpu.VMEM((NPAD,), jnp.float32),
            pltpu.VMEM((CH,), jnp.int32),
            pltpu.VMEM((CH,), jnp.int32),
            pltpu.VMEM((CH,), jnp.int32),
            pltpu.VMEM((CH,), jnp.int32),
            pltpu.VMEM((CH,), jnp.float32),
            pltpu.VMEM((CH, D), jnp.float32),
            pltpu.VMEM_SHARED((NPAD, D), jnp.float32),
            pltpu.VMEM_SHARED((NPAD,), jnp.float32),
            pltpu.SemaphoreType.DMA,
            pltpu.SemaphoreType.DMA,
            pltpu.SemaphoreType.DMA,
        ],
    )
    acc, den = sc_kernel(
        src_p, dst_p, s2.reshape(NPAD), d2.reshape(NPAD), h, selfinit,
        jnp.zeros((NPAD, D), jnp.float32), wself2.reshape(NPAD),
        jnp.zeros((NPAD,), jnp.float32))

    out = pl.pallas_call(
        _post_body,
        grid=(NPAD // BLK,),
        in_specs=[
            pl.BlockSpec((BLK, D), lambda i: (i, 0)),
            pl.BlockSpec((BLK, D), lambda i: (i, 0)),
            pl.BlockSpec((BLK, 1), lambda i: (i, 0)),
            pl.BlockSpec((BLK, 1), lambda i: (i, 0)),
            pl.BlockSpec((1, D), lambda i: (0, 0)),
        ],
        out_specs=pl.BlockSpec((BLK, D), lambda i: (i, 0)),
        out_shape=jax.ShapeDtypeStruct((NPAD, D), jnp.float32),
    )(acc[0], acc[1], den[0].reshape(NPAD, 1), den[1].reshape(NPAD, 1),
      bias.reshape(1, D))
    return out[:N]

# --- scband reference (transcript-rebuilt; emitter-appended) ---
"""Pipeline reference for scband-gcnnet-5952824672467 (READ-ONLY COPY).

The authoritative reference and input builder live on the scoring server;
editing this copy changes nothing except your own understanding.
"""

import jax, jax.numpy as jnp
import numpy as np

N = 10000
E = 320000
D = 128


def setup_inputs(seed: int = 0) -> dict:
    key = jax.random.key(seed)
    k1, k2, k3, k4, k5 = jax.random.split(key, 5)
    x = jax.random.normal(k1, (N, D), dtype=jnp.float32)
    edge_index = jax.random.randint(k2, (2, E), 0, N, dtype=jnp.int32)
    # GATConv parameters (heads=1, concat default): linear weight, attention vectors, bias
    W = jax.random.normal(k3, (D, D), dtype=jnp.float32) * (1.0 / np.sqrt(D))
    att_src = jax.random.normal(k4, (D,), dtype=jnp.float32) * 0.1
    att_dst = jax.random.normal(k5, (D,), dtype=jnp.float32) * 0.1
    bias = jnp.zeros((D,), dtype=jnp.float32)
    return {"x": x, "edge_index": edge_index, "W": W, "att_src": att_src, "att_dst": att_dst, "bias": bias}


def reference(x, edge_index, W, att_src, att_dst, bias):
    # Single GATConv layer (sizes=[128,128] -> one layer, no activation),
    # faithful to torch_geometric GATConv defaults: heads=1, add_self_loops=True,
    # negative_slope=0.2, bias=True.
    n = x.shape[0]
    loop = jnp.arange(n, dtype=edge_index.dtype)
    src = jnp.concatenate([edge_index[0], loop])
    dst = jnp.concatenate([edge_index[1], loop])
    h = x @ W  # [N, D]
    a_src = h @ att_src  # [N]
    a_dst = h @ att_dst  # [N]
    e = jax.nn.leaky_relu(a_src[src] + a_dst[dst], negative_slope=0.2)  # [E+N]
    m = jax.ops.segment_max(e, dst, num_segments=n)
    m = jnp.where(jnp.isfinite(m), m, 0.0)
    ex = jnp.exp(e - m[dst])
    denom = jax.ops.segment_sum(ex, dst, num_segments=n)
    alpha = ex / (denom[dst] + 1e-16)  # softmax over incoming edges per dst node
    msgs = alpha[:, None] * h[src]  # gather + weight
    out = jax.ops.segment_sum(msgs, dst, num_segments=n) + bias  # scatter-add
    return out

if __name__ == "__main__":
    import jax
    _d = setup_inputs()
    print(jax.jit(kernel)(*tuple(_d.values())))

</pallas_src>

<mosaic_0001>
#map = affine_map<(d0, d1) -> (0)>
#map1 = affine_map<(d0, d1) -> (0, 0)>
#map2 = affine_map<(d0, d1) -> (0, 0, 0)>
module attributes {stable_mosaic.version = 14 : i64} {
  func.func @_sc_body(%arg0: i32, %arg1: i32, %arg2: memref<327680xi32, #tpu.memory_space<hbm>>, %arg3: memref<327680xi32, #tpu.memory_space<hbm>>, %arg4: memref<10240xf32, #tpu.memory_space<hbm>>, %arg5: memref<10240xf32, #tpu.memory_space<hbm>>, %arg6: memref<10240x128xf32, #tpu.memory_space<hbm>>, %arg7: memref<10240x128xf32, #tpu.memory_space<hbm>>, %arg8: memref<10240x128xf32, #tpu.memory_space<hbm>>, %arg9: memref<10240xf32, #tpu.memory_space<hbm>>, %arg10: memref<10240xf32, #tpu.memory_space<hbm>>, %arg11: memref<2x10240x128xf32, #tpu.memory_space<hbm>>, %arg12: memref<2x10240xf32, #tpu.memory_space<hbm>>, %arg13: memref<10240xf32, #tpu.memory_space<vmem>>, %arg14: memref<10240xf32, #tpu.memory_space<vmem>>, %arg15: memref<128xi32, #tpu.memory_space<vmem>>, %arg16: memref<128xi32, #tpu.memory_space<vmem>>, %arg17: memref<128xi32, #tpu.memory_space<vmem>>, %arg18: memref<128xi32, #tpu.memory_space<vmem>>, %arg19: memref<128xf32, #tpu.memory_space<vmem>>, %arg20: memref<128x128xf32, #tpu.memory_space<vmem>>, %arg21: memref<10240x128xf32, #tpu.memory_space<vmem_shared>>, %arg22: memref<10240xf32, #tpu.memory_space<vmem_shared>>, %arg23: memref<!tpu.dma_semaphore, #tpu.memory_space<semaphore_mem>>, %arg24: memref<!tpu.dma_semaphore, #tpu.memory_space<semaphore_mem>>, %arg25: memref<!tpu.dma_semaphore, #tpu.memory_space<semaphore_mem>>) attributes {dimension_semantics = [#tpu.dimension_semantics<core_parallel>, #tpu.dimension_semantics<subcore_parallel>], iteration_bounds = array<i64: 2, 16>, scalar_prefetch = 0 : i64, scratch_operands = 13 : i64, tpu.core_type = #tpu.core_type<sc_vector_subcore>, window_params = [{transform_indices = #map}, {transform_indices = #map}, {transform_indices = #map}, {transform_indices = #map}, {transform_indices = #map1}, {transform_indices = #map1}, {transform_indices = #map1}, {transform_indices = #map}, {transform_indices = #map}, {transform_indices = #map2}, {transform_indices = #map1}]} {
    %mul3A = arith.constant 2 : i32
    %mul3A_0 = arith.muli %arg1, %mul3A : i32
    %add3A = arith.addi %mul3A_0, %arg0 : i32
    %mul3A_1 = arith.constant 640 : i32
    %mul3A_2 = arith.muli %arg1, %mul3A_1 : i32
    %eq3A = arith.constant 0 : i32
    %eq3A_3 = arith.cmpi eq, %arg0, %eq3A : i32
    %convert_element_type3A = arith.extui %eq3A_3 : i1 to i32
    %cond3A = arith.constant 0 : i32
    %cond3A_4 = arith.cmpi ne, %convert_element_type3A, %cond3A : i32
    scf.if %cond3A_4 {
      "tpu.region"() ({
        %run_scoped3A = tpu.sem_alloc : memref<!tpu.dma_semaphore, #tpu.memory_space<semaphore_mem>>
        %dma_start3A = arith.constant 0 : i32
        %dma_start3A_25 = tpu.memref_slice %arg21[%mul3A_2, %dma_start3A] : memref<10240x128xf32, #tpu.memory_space<vmem_shared>> -> memref<640x128xf32, #tpu.memory_space<vmem_shared>>
        %dma_start3A_26 = arith.constant 0 : i32
        %dma_start3A_27 = tpu.memref_slice %arg7[%mul3A_2, %dma_start3A_26] : memref<10240x128xf32, #tpu.memory_space<hbm>> -> memref<640x128xf32, #tpu.memory_space<hbm>>
        tpu.enqueue_dma source(%dma_start3A_27 : memref<640x128xf32, #tpu.memory_space<hbm>>) target(%dma_start3A_25 : memref<640x128xf32, #tpu.memory_space<vmem_shared>>) target_semaphore(%run_scoped3A : memref<!tpu.dma_semaphore, #tpu.memory_space<semaphore_mem>>)
        %dma_wait3A_28 = arith.constant 0 : i32
        %dma_wait3A_29 = tpu.memref_slice %arg21[%mul3A_2, %dma_wait3A_28] : memref<10240x128xf32, #tpu.memory_space<vmem_shared>> -> memref<640x128xf32, #tpu.memory_space<vmem_shared>>
        %dma_wait3A_30 = arith.constant 0 : i32
        %dma_wait3A_31 = tpu.memref_slice %arg7[%mul3A_2, %dma_wait3A_30] : memref<10240x128xf32, #tpu.memory_space<hbm>> -> memref<640x128xf32, #tpu.memory_space<hbm>>
        tpu.wait_dma2 semaphore(%run_scoped3A : memref<!tpu.dma_semaphore, #tpu.memory_space<semaphore_mem>>) src(%dma_wait3A_31 : memref<640x128xf32, #tpu.memory_space<hbm>>) dst(%dma_wait3A_29 : memref<640x128xf32, #tpu.memory_space<vmem_shared>>)
        tpu.yield
      }) : () -> ()
      "tpu.region"() ({
        %run_scoped3A = tpu.sem_alloc : memref<!tpu.dma_semaphore, #tpu.memory_space<semaphore_mem>>
        %dma_start3A = tpu.memref_slice %arg22[%mul3A_2] : memref<10240xf32, #tpu.memory_space<vmem_shared>> -> memref<640xf32, #tpu.memory_space<vmem_shared>>
        %dma_start3A_25 = tpu.memref_slice %arg9[%mul3A_2] : memref<10240xf32, #tpu.memory_space<hbm>> -> memref<640xf32, #tpu.memory_space<hbm>>
        tpu.enqueue_dma source(%dma_start3A_25 : memref<640xf32, #tpu.memory_space<hbm>>) target(%dma_start3A : memref<640xf32, #tpu.memory_space<vmem_shared>>) target_semaphore(%run_scoped3A : memref<!tpu.dma_semaphore, #tpu.memory_space<semaphore_mem>>)
        %dma_wait3A_26 = tpu.memref_slice %arg22[%mul3A_2] : memref<10240xf32, #tpu.memory_space<vmem_shared>> -> memref<640xf32, #tpu.memory_space<vmem_shared>>
        %dma_wait3A_27 = tpu.memref_slice %arg9[%mul3A_2] : memref<10240xf32, #tpu.memory_space<hbm>> -> memref<640xf32, #tpu.memory_space<hbm>>
        tpu.wait_dma2 semaphore(%run_scoped3A : memref<!tpu.dma_semaphore, #tpu.memory_space<semaphore_mem>>) src(%dma_wait3A_27 : memref<640xf32, #tpu.memory_space<hbm>>) dst(%dma_wait3A_26 : memref<640xf32, #tpu.memory_space<vmem_shared>>)
        tpu.yield
      }) : () -> ()
    } else {
    }
    %ne3A = arith.constant 0 : i32
    %ne3A_5 = arith.cmpi ne, %arg0, %ne3A : i32
    %convert_element_type3A_6 = arith.extui %ne3A_5 : i1 to i32
    %cond3A_7 = arith.constant 0 : i32
    %cond3A_8 = arith.cmpi ne, %convert_element_type3A_6, %cond3A_7 : i32
    scf.if %cond3A_8 {
      "tpu.region"() ({
        %run_scoped3A = tpu.sem_alloc : memref<!tpu.dma_semaphore, #tpu.memory_space<semaphore_mem>>
        %dma_start3A = arith.constant 0 : i32
        %dma_start3A_25 = tpu.memref_slice %arg21[%mul3A_2, %dma_start3A] : memref<10240x128xf32, #tpu.memory_space<vmem_shared>> -> memref<640x128xf32, #tpu.memory_space<vmem_shared>>
        %dma_start3A_26 = arith.constant 0 : i32
        %dma_start3A_27 = tpu.memref_slice %arg8[%mul3A_2, %dma_start3A_26] : memref<10240x128xf32, #tpu.memory_space<hbm>> -> memref<640x128xf32, #tpu.memory_space<hbm>>
        tpu.enqueue_dma source(%dma_start3A_27 : memref<640x128xf32, #tpu.memory_space<hbm>>) target(%dma_start3A_25 : memref<640x128xf32, #tpu.memory_space<vmem_shared>>) target_semaphore(%run_scoped3A : memref<!tpu.dma_semaphore, #tpu.memory_space<semaphore_mem>>)
        %dma_wait3A_28 = arith.constant 0 : i32
        %dma_wait3A_29 = tpu.memref_slice %arg21[%mul3A_2, %dma_wait3A_28] : memref<10240x128xf32, #tpu.memory_space<vmem_shared>> -> memref<640x128xf32, #tpu.memory_space<vmem_shared>>
        %dma_wait3A_30 = arith.constant 0 : i32
        %dma_wait3A_31 = tpu.memref_slice %arg8[%mul3A_2, %dma_wait3A_30] : memref<10240x128xf32, #tpu.memory_space<hbm>> -> memref<640x128xf32, #tpu.memory_space<hbm>>
        tpu.wait_dma2 semaphore(%run_scoped3A : memref<!tpu.dma_semaphore, #tpu.memory_space<semaphore_mem>>) src(%dma_wait3A_31 : memref<640x128xf32, #tpu.memory_space<hbm>>) dst(%dma_wait3A_29 : memref<640x128xf32, #tpu.memory_space<vmem_shared>>)
        tpu.yield
      }) : () -> ()
      "tpu.region"() ({
        %run_scoped3A = tpu.sem_alloc : memref<!tpu.dma_semaphore, #tpu.memory_space<semaphore_mem>>
        %dma_start3A = tpu.memref_slice %arg22[%mul3A_2] : memref<10240xf32, #tpu.memory_space<vmem_shared>> -> memref<640xf32, #tpu.memory_space<vmem_shared>>
        %dma_start3A_25 = tpu.memref_slice %arg10[%mul3A_2] : memref<10240xf32, #tpu.memory_space<hbm>> -> memref<640xf32, #tpu.memory_space<hbm>>
        tpu.enqueue_dma source(%dma_start3A_25 : memref<640xf32, #tpu.memory_space<hbm>>) target(%dma_start3A : memref<640xf32, #tpu.memory_space<vmem_shared>>) target_semaphore(%run_scoped3A : memref<!tpu.dma_semaphore, #tpu.memory_space<semaphore_mem>>)
        %dma_wait3A_26 = tpu.memref_slice %arg22[%mul3A_2] : memref<10240xf32, #tpu.memory_space<vmem_shared>> -> memref<640xf32, #tpu.memory_space<vmem_shared>>
        %dma_wait3A_27 = tpu.memref_slice %arg10[%mul3A_2] : memref<10240xf32, #tpu.memory_space<hbm>> -> memref<640xf32, #tpu.memory_space<hbm>>
        tpu.wait_dma2 semaphore(%run_scoped3A : memref<!tpu.dma_semaphore, #tpu.memory_space<semaphore_mem>>) src(%dma_wait3A_27 : memref<640xf32, #tpu.memory_space<hbm>>) dst(%dma_wait3A_26 : memref<640xf32, #tpu.memory_space<vmem_shared>>)
        tpu.yield
      }) : () -> ()
    } else {
    }
    "tpu.region"() ({
      %run_scoped3A = tpu.sem_alloc : memref<!tpu.dma_semaphore, #tpu.memory_space<semaphore_mem>>
      tpu.enqueue_dma source(%arg4 : memref<10240xf32, #tpu.memory_space<hbm>>) target(%arg13 : memref<10240xf32, #tpu.memory_space<vmem>>) target_semaphore(%run_scoped3A : memref<!tpu.dma_semaphore, #tpu.memory_space<semaphore_mem>>)
      tpu.wait_dma2 semaphore(%run_scoped3A : memref<!tpu.dma_semaphore, #tpu.memory_space<semaphore_mem>>) src(%arg4 : memref<10240xf32, #tpu.memory_space<hbm>>) dst(%arg13 : memref<10240xf32, #tpu.memory_space<vmem>>)
      tpu.yield
    }) : () -> ()
    "tpu.region"() ({
      %run_scoped3A = tpu.sem_alloc : memref<!tpu.dma_semaphore, #tpu.memory_space<semaphore_mem>>
      tpu.enqueue_dma source(%arg5 : memref<10240xf32, #tpu.memory_space<hbm>>) target(%arg14 : memref<10240xf32, #tpu.memory_space<vmem>>) target_semaphore(%run_scoped3A : memref<!tpu.dma_semaphore, #tpu.memory_space<semaphore_mem>>)
      tpu.wait_dma2 semaphore(%run_scoped3A : memref<!tpu.dma_semaphore, #tpu.memory_space<semaphore_mem>>) src(%arg5 : memref<10240xf32, #tpu.memory_space<hbm>>) dst(%arg14 : memref<10240xf32, #tpu.memory_space<vmem>>)
      tpu.yield
    }) : () -> ()
    %barrier3A = arith.constant 0 : index
    tpu.barrier barrier_id(%barrier3A)
    %mul3A_9 = arith.constant 80 : i32
    %mul3A_10 = arith.muli %add3A, %mul3A_9 : i32
    %add3A_11 = arith.constant 0 : i32
    %add3A_12 = arith.addi %mul3A_10, %add3A_11 : i32
    %mul3A_13 = arith.constant 128 : i32
    %mul3A_14 = arith.muli %add3A_12, %mul3A_13 : i32
    "tpu.region"() ({
      %run_scoped3A = tpu.sem_alloc : memref<!tpu.dma_semaphore, #tpu.memory_space<semaphore_mem>>
      %dma_start3A = tpu.memref_slice %arg2[%mul3A_14] : memref<327680xi32, #tpu.memory_space<hbm>> -> memref<128xi32, #tpu.memory_space<hbm>>
      %dma_start3A_25 = tpu.memref_slice %arg2[%mul3A_14] : memref<327680xi32, #tpu.memory_space<hbm>> -> memref<128xi32, #tpu.memory_space<hbm>>
      tpu.enqueue_dma source(%dma_start3A_25 : memref<128xi32, #tpu.memory_space<hbm>>) target(%arg15 : memref<128xi32, #tpu.memory_space<vmem>>) target_semaphore(%run_scoped3A : memref<!tpu.dma_semaphore, #tpu.memory_space<semaphore_mem>>)
      %dma_wait3A_26 = tpu.memref_slice %arg2[%mul3A_14] : memref<327680xi32, #tpu.memory_space<hbm>> -> memref<128xi32, #tpu.memory_space<hbm>>
      %dma_wait3A_27 = tpu.memref_slice %arg2[%mul3A_14] : memref<327680xi32, #tpu.memory_space<hbm>> -> memref<128xi32, #tpu.memory_space<hbm>>
      tpu.wait_dma2 semaphore(%run_scoped3A : memref<!tpu.dma_semaphore, #tpu.memory_space<semaphore_mem>>) src(%dma_wait3A_27 : memref<128xi32, #tpu.memory_space<hbm>>) dst(%arg15 : memref<128xi32, #tpu.memory_space<vmem>>)
      tpu.yield
    }) : () -> ()
    "tpu.region"() ({
      %run_scoped3A = tpu.sem_alloc : memref<!tpu.dma_semaphore, #tpu.memory_space<semaphore_mem>>
      %dma_start3A = tpu.memref_slice %arg3[%mul3A_14] : memref<327680xi32, #tpu.memory_space<hbm>> -> memref<128xi32, #tpu.memory_space<hbm>>
      %dma_start3A_25 = tpu.memref_slice %arg3[%mul3A_14] : memref<327680xi32, #tpu.memory_space<hbm>> -> memref<128xi32, #tpu.memory_space<hbm>>
      tpu.enqueue_dma source(%dma_start3A_25 : memref<128xi32, #tpu.memory_space<hbm>>) target(%arg16 : memref<128xi32, #tpu.memory_space<vmem>>) target_semaphore(%run_scoped3A : memref<!tpu.dma_semaphore, #tpu.memory_space<semaphore_mem>>)
      %dma_wait3A_26 = tpu.memref_slice %arg3[%mul3A_14] : memref<327680xi32, #tpu.memory_space<hbm>> -> memref<128xi32, #tpu.memory_space<hbm>>
      %dma_wait3A_27 = tpu.memref_slice %arg3[%mul3A_14] : memref<327680xi32, #tpu.memory_space<hbm>> -> memref<128xi32, #tpu.memory_space<hbm>>
      tpu.wait_dma2 semaphore(%run_scoped3A : memref<!tpu.dma_semaphore, #tpu.memory_space<semaphore_mem>>) src(%dma_wait3A_27 : memref<128xi32, #tpu.memory_space<hbm>>) dst(%arg16 : memref<128xi32, #tpu.memory_space<vmem>>)
      tpu.yield
    }) : () -> ()
    %scan3A = arith.constant 0 : i32
    %scan3A_15 = arith.constant 0 : i32
    %scan3A_16 = arith.constant 40 : i32
    %scan3A_17 = arith.addi %scan3A_15, %scan3A_16 : i32
    %scan3A_18 = arith.constant 1 : i32
    scf.for %scan3A_25 = %scan3A_15 to %scan3A_17 step %scan3A_18  : i32 {
      %mul3A_26 = arith.constant 2 : i32
      %mul3A_27 = arith.muli %mul3A_26, %scan3A_25 : i32
      %ge3A = arith.constant 1 : i32
      %ge3A_28 = arith.cmpi sge, %mul3A_27, %ge3A : i32
      %convert_element_type3A_29 = arith.extui %ge3A_28 : i1 to i32
      %cond3A_30 = arith.constant 0 : i32
      %cond3A_31 = arith.cmpi ne, %convert_element_type3A_29, %cond3A_30 : i32
      scf.if %cond3A_31 {
        %dma_wait3A_360 = arith.constant 0 : i32
        %dma_wait3A_361 = arith.constant 0 : i32
        %dma_wait3A_362 = tpu.memref_slice %arg21[%dma_wait3A_360, %dma_wait3A_361] : memref<10240x128xf32, #tpu.memory_space<vmem_shared>> -> memref<10240x128xf32, #tpu.memory_space<vmem_shared>>
        tpu.wait_indirect_dma semaphore(%arg25 : memref<!tpu.dma_semaphore, #tpu.memory_space<semaphore_mem>>) src(%arg20 : memref<128x128xf32, #tpu.memory_space<vmem>>) dst(%dma_wait3A_362 : memref<10240x128xf32, #tpu.memory_space<vmem_shared>>)
        %dma_wait3A_363 = arith.constant 0 : i32
        %dma_wait3A_364 = tpu.memref_slice %arg22[%dma_wait3A_363] : memref<10240xf32, #tpu.memory_space<vmem_shared>> -> memref<10240xf32, #tpu.memory_space<vmem_shared>>
        tpu.wait_indirect_dma semaphore(%arg25 : memref<!tpu.dma_semaphore, #tpu.memory_space<semaphore_mem>>) src(%arg19 : memref<128xf32, #tpu.memory_space<vmem>>) dst(%dma_wait3A_364 : memref<10240xf32, #tpu.memory_space<vmem_shared>>)
      } else {
      }
      %le3A = arith.constant 78 : i32
      %le3A_32 = arith.cmpi sle, %mul3A_27, %le3A : i32
      %convert_element_type3A_33 = arith.extui %le3A_32 : i1 to i32
      %cond3A_34 = arith.constant 0 : i32
      %cond3A_35 = arith.cmpi ne, %convert_element_type3A_33, %cond3A_34 : i32
      scf.if %cond3A_35 {
        %add3A_360 = arith.constant 1 : i32
        %add3A_361 = arith.addi %mul3A_27, %add3A_360 : i32
        %mul3A_362 = arith.constant 80 : i32
        %mul3A_363 = arith.muli %add3A, %mul3A_362 : i32
        %add3A_364 = arith.addi %mul3A_363, %add3A_361 : i32
        %mul3A_365 = arith.constant 128 : i32
        %mul3A_366 = arith.muli %add3A_364, %mul3A_365 : i32
        %dma_start3A_367 = tpu.memref_slice %arg2[%mul3A_366] : memref<327680xi32, #tpu.memory_space<hbm>> -> memref<128xi32, #tpu.memory_space<hbm>>
        %dma_start3A_368 = tpu.memref_slice %arg2[%mul3A_366] : memref<327680xi32, #tpu.memory_space<hbm>> -> memref<128xi32, #tpu.memory_space<hbm>>
        tpu.enqueue_dma source(%dma_start3A_368 : memref<128xi32, #tpu.memory_space<hbm>>) target(%arg17 : memref<128xi32, #tpu.memory_space<vmem>>) target_semaphore(%arg23 : memref<!tpu.dma_semaphore, #tpu.memory_space<semaphore_mem>>)
        %dma_start3A_369 = tpu.memref_slice %arg3[%mul3A_366] : memref<327680xi32, #tpu.memory_space<hbm>> -> memref<128xi32, #tpu.memory_space<hbm>>
        %dma_start3A_370 = tpu.memref_slice %arg3[%mul3A_366] : memref<327680xi32, #tpu.memory_space<hbm>> -> memref<128xi32, #tpu.memory_space<hbm>>
        tpu.enqueue_dma source(%dma_start3A_370 : memref<128xi32, #tpu.memory_space<hbm>>) target(%arg18 : memref<128xi32, #tpu.memory_space<vmem>>) target_semaphore(%arg23 : memref<!tpu.dma_semaphore, #tpu.memory_space<semaphore_mem>>)
      } else {
      }
      %dma_start3A = arith.constant 0 : i32
      %dma_start3A_36 = arith.constant 0 : i32
      %dma_start3A_37 = tpu.memref_slice %arg6[%dma_start3A, %dma_start3A_36] : memref<10240x128xf32, #tpu.memory_space<hbm>> -> memref<10240x128xf32, #tpu.memory_space<hbm>>
      tpu.enqueue_indirect_dma source(%dma_start3A_37 : memref<10240x128xf32, #tpu.memory_space<hbm>>) target(%arg20 : memref<128x128xf32, #tpu.memory_space<vmem>>) offsets(%arg15 : memref<128xi32, #tpu.memory_space<vmem>>) semaphore(%arg24 : memref<!tpu.dma_semaphore, #tpu.memory_space<semaphore_mem>>)
      %get3A = arith.constant 0 : index
      %get3A_38 = tpu.vector_load %arg15[%get3A] {strides = array<i32>} : memref<128xi32, #tpu.memory_space<vmem>>, vector<16xi32>,
      %get3A_39 = arith.constant 0 : index
      %get3A_40 = tpu.vector_load %arg16[%get3A_39] {strides = array<i32>} : memref<128xi32, #tpu.memory_space<vmem>>, vector<16xi32>,
      %gather3A = tpu.vector_load_idx %arg13[%get3A_38] : memref<10240xf32, #tpu.memory_space<vmem>>[vector<16xi32>], vector<16xf32>,
      %gather3A_41 = tpu.vector_load_idx %arg14[%get3A_40] : memref<10240xf32, #tpu.memory_space<vmem>>[vector<16xi32>], vector<16xf32>,
      %add3A_42 = arith.addf %gather3A, %gather3A_41 : vector<16xf32>
      %ge3A_43 = arith.constant 0.000000e+00 : f32
      %ge3A_44 = vector.broadcast %ge3A_43 : f32 to vector<16xf32>
      %ge3A_45 = arith.cmpf oge, %add3A_42, %ge3A_44 : vector<16xf32>
      %mul3A_46 = arith.constant 2.000000e-01 : f32
      %mul3A_47 = vector.broadcast %mul3A_46 : f32 to vector<16xf32>
      %mul3A_48 = arith.mulf %mul3A_47, %add3A_42 : vector<16xf32>
      %select_n3A = arith.select %ge3A_45, %add3A_42, %mul3A_48 : vector<16xi1>, vector<16xf32>
      %exp3A = math.exp %select_n3A : vector<16xf32>
      %swap3A = arith.constant 0 : index
      %swap3A_49 = tpu.vector_load %arg19[%swap3A] {strides = array<i32>} : memref<128xf32, #tpu.memory_space<vmem>>, vector<16xf32>,
      tpu.vector_store %arg19[%swap3A], %exp3A {strides = array<i32>} : memref<128xf32, #tpu.memory_space<vmem>>, vector<16xf32>,
      %get3A_50 = arith.constant 16 : index
      %get3A_51 = tpu.vector_load %arg15[%get3A_50] {strides = array<i32>} : memref<128xi32, #tpu.memory_space<vmem>>, vector<16xi32>,
      %get3A_52 = arith.constant 16 : index
      %get3A_53 = tpu.vector_load %arg16[%get3A_52] {strides = array<i32>} : memref<128xi32, #tpu.memory_space<vmem>>, vector<16xi32>,
      %gather3A_54 = tpu.vector_load_idx %arg13[%get3A_51] : memref<10240xf32, #tpu.memory_space<vmem>>[vector<16xi32>], vector<16xf32>,
      %gather3A_55 = tpu.vector_load_idx %arg14[%get3A_53] : memref<10240xf32, #tpu.memory_space<vmem>>[vector<16xi32>], vector<16xf32>,
      %add3A_56 = arith.addf %gather3A_54, %gather3A_55 : vector<16xf32>
      %ge3A_57 = arith.constant 0.000000e+00 : f32
      %ge3A_58 = vector.broadcast %ge3A_57 : f32 to vector<16xf32>
      %ge3A_59 = arith.cmpf oge, %add3A_56, %ge3A_58 : vector<16xf32>
      %mul3A_60 = arith.constant 2.000000e-01 : f32
      %mul3A_61 = vector.broadcast %mul3A_60 : f32 to vector<16xf32>
      %mul3A_62 = arith.mulf %mul3A_61, %add3A_56 : vector<16xf32>
      %select_n3A_63 = arith.select %ge3A_59, %add3A_56, %mul3A_62 : vector<16xi1>, vector<16xf32>
      %exp3A_64 = math.exp %select_n3A_63 : vector<16xf32>
      %swap3A_65 = arith.constant 16 : index
      %swap3A_66 = tpu.vector_load %arg19[%swap3A_65] {strides = array<i32>} : memref<128xf32, #tpu.memory_space<vmem>>, vector<16xf32>,
      tpu.vector_store %arg19[%swap3A_65], %exp3A_64 {strides = array<i32>} : memref<128xf32, #tpu.memory_space<vmem>>, vector<16xf32>,
      %get3A_67 = arith.constant 32 : index
      %get3A_68 = tpu.vector_load %arg15[%get3A_67] {strides = array<i32>} : memref<128xi32, #tpu.memory_space<vmem>>, vector<16xi32>,
      %get3A_69 = arith.constant 32 : index
      %get3A_70 = tpu.vector_load %arg16[%get3A_69] {strides = array<i32>} : memref<128xi32, #tpu.memory_space<vmem>>, vector<16xi32>,
      %gather3A_71 = tpu.vector_load_idx %arg13[%get3A_68] : memref<10240xf32, #tpu.memory_space<vmem>>[vector<16xi32>], vector<16xf32>,
      %gather3A_72 = tpu.vector_load_idx %arg14[%get3A_70] : memref<10240xf32, #tpu.memory_space<vmem>>[vector<16xi32>], vector<16xf32>,
      %add3A_73 = arith.addf %gather3A_71, %gather3A_72 : vector<16xf32>
      %ge3A_74 = arith.constant 0.000000e+00 : f32
      %ge3A_75 = vector.broadcast %ge3A_74 : f32 to vector<16xf32>
      %ge3A_76 = arith.cmpf oge, %add3A_73, %ge3A_75 : vector<16xf32>
      %mul3A_77 = arith.constant 2.000000e-01 : f32
      %mul3A_78 = vector.broadcast %mul3A_77 : f32 to vector<16xf32>
      %mul3A_79 = arith.mulf %mul3A_78, %add3A_73 : vector<16xf32>
      %select_n3A_80 = arith.select %ge3A_76, %add3A_73, %mul3A_79 : vector<16xi1>, vector<16xf32>
      %exp3A_81 = math.exp %select_n3A_80 : vector<16xf32>
      %swap3A_82 = arith.constant 32 : index
      %swap3A_83 = tpu.vector_load %arg19[%swap3A_82] {strides = array<i32>} : memref<128xf32, #tpu.memory_space<vmem>>, vector<16xf32>,
      tpu.vector_store %arg19[%swap3A_82], %exp3A_81 {strides = array<i32>} : memref<128xf32, #tpu.memory_space<vmem>>, vector<16xf32>,
      %get3A_84 = arith.constant 48 : index
      %get3A_85 = tpu.vector_load %arg15[%get3A_84] {strides = array<i32>} : memref<128xi32, #tpu.memory_space<vmem>>, vector<16xi32>,
      %get3A_86 = arith.constant 48 : index
      %get3A_87 = tpu.vector_load %arg16[%get3A_86] {strides = array<i32>} : memref<128xi32, #tpu.memory_space<vmem>>, vector<16xi32>,
      %gather3A_88 = tpu.vector_load_idx %arg13[%get3A_85] : memref<10240xf32, #tpu.memory_space<vmem>>[vector<16xi32>], vector<16xf32>,
      %gather3A_89 = tpu.vector_load_idx %arg14[%get3A_87] : memref<10240xf32, #tpu.memory_space<vmem>>[vector<16xi32>], vector<16xf32>,
      %add3A_90 = arith.addf %gather3A_88, %gather3A_89 : vector<16xf32>
      %ge3A_91 = arith.constant 0.000000e+00 : f32
      %ge3A_92 = vector.broadcast %ge3A_91 : f32 to vector<16xf32>
      %ge3A_93 = arith.cmpf oge, %add3A_90, %ge3A_92 : vector<16xf32>
      %mul3A_94 = arith.constant 2.000000e-01 : f32
      %mul3A_95 = vector.broadcast %mul3A_94 : f32 to vector<16xf32>
      %mul3A_96 = arith.mulf %mul3A_95, %add3A_90 : vector<16xf32>
      %select_n3A_97 = arith.select %ge3A_93, %add3A_90, %mul3A_96 : vector<16xi1>, vector<16xf32>
      %exp3A_98 = math.exp %select_n3A_97 : vector<16xf32>
      %swap3A_99 = arith.constant 48 : index
      %swap3A_100 = tpu.vector_load %arg19[%swap3A_99] {strides = array<i32>} : memref<128xf32, #tpu.memory_space<vmem>>, vector<16xf32>,
      tpu.vector_store %arg19[%swap3A_99], %exp3A_98 {strides = array<i32>} : memref<128xf32, #tpu.memory_space<vmem>>, vector<16xf32>,
      %get3A_101 = arith.constant 64 : index
      %get3A_102 = tpu.vector_load %arg15[%get3A_101] {strides = array<i32>} : memref<128xi32, #tpu.memory_space<vmem>>, vector<16xi32>,
      %get3A_103 = arith.constant 64 : index
      %get3A_104 = tpu.vector_load %arg16[%get3A_103] {strides = array<i32>} : memref<128xi32, #tpu.memory_space<vmem>>, vector<16xi32>,
      %gather3A_105 = tpu.vector_load_idx %arg13[%get3A_102] : memref<10240xf32, #tpu.memory_space<vmem>>[vector<16xi32>], vector<16xf32>,
      %gather3A_106 = tpu.vector_load_idx %arg14[%get3A_104] : memref<10240xf32, #tpu.memory_space<vmem>>[vector<16xi32>], vector<16xf32>,
      %add3A_107 = arith.addf %gather3A_105, %gather3A_106 : vector<16xf32>
      %ge3A_108 = arith.constant 0.000000e+00 : f32
      %ge3A_109 = vector.broadcast %ge3A_108 : f32 to vector<16xf32>
      %ge3A_110 = arith.cmpf oge, %add3A_107, %ge3A_109 : vector<16xf32>
      %mul3A_111 = arith.constant 2.000000e-01 : f32
      %mul3A_112 = vector.broadcast %mul3A_111 : f32 to vector<16xf32>
      %mul3A_113 = arith.mulf %mul3A_112, %add3A_107 : vector<16xf32>
      %select_n3A_114 = arith.select %ge3A_110, %add3A_107, %mul3A_113 : vector<16xi1>, vector<16xf32>
      %exp3A_115 = math.exp %select_n3A_114 : vector<16xf32>
      %swap3A_116 = arith.constant 64 : index
      %swap3A_117 = tpu.vector_load %arg19[%swap3A_116] {strides = array<i32>} : memref<128xf32, #tpu.memory_space<vmem>>, vector<16xf32>,
      tpu.vector_store %arg19[%swap3A_116], %exp3A_115 {strides = array<i32>} : memref<128xf32, #tpu.memory_space<vmem>>, vector<16xf32>,
      %get3A_118 = arith.constant 80 : index
      %get3A_119 = tpu.vector_load %arg15[%get3A_118] {strides = array<i32>} : memref<128xi32, #tpu.memory_space<vmem>>, vector<16xi32>,
      %get3A_120 = arith.constant 80 : index
      %get3A_121 = tpu.vector_load %arg16[%get3A_120] {strides = array<i32>} : memref<128xi32, #tpu.memory_space<vmem>>, vector<16xi32>,
      %gather3A_122 = tpu.vector_load_idx %arg13[%get3A_119] : memref<10240xf32, #tpu.memory_space<vmem>>[vector<16xi32>], vector<16xf32>,
      %gather3A_123 = tpu.vector_load_idx %arg14[%get3A_121] : memref<10240xf32, #tpu.memory_space<vmem>>[vector<16xi32>], vector<16xf32>,
      %add3A_124 = arith.addf %gather3A_122, %gather3A_123 : vector<16xf32>
      %ge3A_125 = arith.constant 0.000000e+00 : f32
      %ge3A_126 = vector.broadcast %ge3A_125 : f32 to vector<16xf32>
      %ge3A_127 = arith.cmpf oge, %add3A_124, %ge3A_126 : vector<16xf32>
      %mul3A_128 = arith.constant 2.000000e-01 : f32
      %mul3A_129 = vector.broadcast %mul3A_128 : f32 to vector<16xf32>
      %mul3A_130 = arith.mulf %mul3A_129, %add3A_124 : vector<16xf32>
      %select_n3A_131 = arith.select %ge3A_127, %add3A_124, %mul3A_130 : vector<16xi1>, vector<16xf32>
      %exp3A_132 = math.exp %select_n3A_131 : vector<16xf32>
      %swap3A_133 = arith.constant 80 : index
      %swap3A_134 = tpu.vector_load %arg19[%swap3A_133] {strides = array<i32>} : memref<128xf32, #tpu.memory_space<vmem>>, vector<16xf32>,
      tpu.vector_store %arg19[%swap3A_133], %exp3A_132 {strides = array<i32>} : memref<128xf32, #tpu.memory_space<vmem>>, vector<16xf32>,
      %get3A_135 = arith.constant 96 : index
      %get3A_136 = tpu.vector_load %arg15[%get3A_135] {strides = array<i32>} : memref<128xi32, #tpu.memory_space<vmem>>, vector<16xi32>,
      %get3A_137 = arith.constant 96 : index
      %get3A_138 = tpu.vector_load %arg16[%get3A_137] {strides = array<i32>} : memref<128xi32, #tpu.memory_space<vmem>>, vector<16xi32>,
      %gather3A_139 = tpu.vector_load_idx %arg13[%get3A_136] : memref<10240xf32, #tpu.memory_space<vmem>>[vector<16xi32>], vector<16xf32>,
      %gather3A_140 = tpu.vector_load_idx %arg14[%get3A_138] : memref<10240xf32, #tpu.memory_space<vmem>>[vector<16xi32>], vector<16xf32>,
      %add3A_141 = arith.addf %gather3A_139, %gather3A_140 : vector<16xf32>
      %ge3A_142 = arith.constant 0.000000e+00 : f32
      %ge3A_143 = vector.broadcast %ge3A_142 : f32 to vector<16xf32>
      %ge3A_144 = arith.cmpf oge, %add3A_141, %ge3A_143 : vector<16xf32>
      %mul3A_145 = arith.constant 2.000000e-01 : f32
      %mul3A_146 = vector.broadcast %mul3A_145 : f32 to vector<16xf32>
      %mul3A_147 = arith.mulf %mul3A_146, %add3A_141 : vector<16xf32>
      %select_n3A_148 = arith.select %ge3A_144, %add3A_141, %mul3A_147 : vector<16xi1>, vector<16xf32>
      %exp3A_149 = math.exp %select_n3A_148 : vector<16xf32>
      %swap3A_150 = arith.constant 96 : index
      %swap3A_151 = tpu.vector_load %arg19[%swap3A_150] {strides = array<i32>} : memref<128xf32, #tpu.memory_space<vmem>>, vector<16xf32>,
      tpu.vector_store %arg19[%swap3A_150], %exp3A_149 {strides = array<i32>} : memref<128xf32, #tpu.memory_space<vmem>>, vector<16xf32>,
      %get3A_152 = arith.constant 112 : index
      %get3A_153 = tpu.vector_load %arg15[%get3A_152] {strides = array<i32>} : memref<128xi32, #tpu.memory_space<vmem>>, vector<16xi32>,
      %get3A_154 = arith.constant 112 : index
      %get3A_155 = tpu.vector_load %arg16[%get3A_154] {strides = array<i32>} : memref<128xi32, #tpu.memory_space<vmem>>, vector<16xi32>,
      %gather3A_156 = tpu.vector_load_idx %arg13[%get3A_153] : memref<10240xf32, #tpu.memory_space<vmem>>[vector<16xi32>], vector<16xf32>,
      %gather3A_157 = tpu.vector_load_idx %arg14[%get3A_155] : memref<10240xf32, #tpu.memory_space<vmem>>[vector<16xi32>], vector<16xf32>,
      %add3A_158 = arith.addf %gather3A_156, %gather3A_157 : vector<16xf32>
      %ge3A_159 = arith.constant 0.000000e+00 : f32
      %ge3A_160 = vector.broadcast %ge3A_159 : f32 to vector<16xf32>
      %ge3A_161 = arith.cmpf oge, %add3A_158, %ge3A_160 : vector<16xf32>
      %mul3A_162 = arith.constant 2.000000e-01 : f32
      %mul3A_163 = vector.broadcast %mul3A_162 : f32 to vector<16xf32>
      %mul3A_164 = arith.mulf %mul3A_163, %add3A_158 : vector<16xf32>
      %select_n3A_165 = arith.select %ge3A_161, %add3A_158, %mul3A_164 : vector<16xi1>, vector<16xf32>
      %exp3A_166 = math.exp %select_n3A_165 : vector<16xf32>
      %swap3A_167 = arith.constant 112 : index
      %swap3A_168 = tpu.vector_load %arg19[%swap3A_167] {strides = array<i32>} : memref<128xf32, #tpu.memory_space<vmem>>, vector<16xf32>,
      tpu.vector_store %arg19[%swap3A_167], %exp3A_166 {strides = array<i32>} : memref<128xf32, #tpu.memory_space<vmem>>, vector<16xf32>,
      %dma_wait3A_169 = arith.constant 0 : i32
      %dma_wait3A_170 = arith.constant 0 : i32
      %dma_wait3A_171 = tpu.memref_slice %arg6[%dma_wait3A_169, %dma_wait3A_170] : memref<10240x128xf32, #tpu.memory_space<hbm>> -> memref<10240x128xf32, #tpu.memory_space<hbm>>
      tpu.wait_indirect_dma semaphore(%arg24 : memref<!tpu.dma_semaphore, #tpu.memory_space<semaphore_mem>>) src(%dma_wait3A_171 : memref<10240x128xf32, #tpu.memory_space<hbm>>) dst(%arg20 : memref<128x128xf32, #tpu.memory_space<vmem>>)
      %scan3A_172 = arith.constant 0 : i32
      %scan3A_173 = arith.constant 0 : i32
      %scan3A_174 = arith.constant 128 : i32
      %scan3A_175 = arith.addi %scan3A_173, %scan3A_174 : i32
      %scan3A_176 = arith.constant 2 : i32
      scf.for %scan3A_360 = %scan3A_173 to %scan3A_175 step %scan3A_176  : i32 {
        %broadcast_in_dim3A = vector.broadcast %scan3A_360 : i32 to vector<16xi32>
        %gather3A_361 = tpu.vector_load_idx %arg19[%broadcast_in_dim3A] : memref<128xf32, #tpu.memory_space<vmem>>[vector<16xi32>], vector<16xf32>,
        %get3A_362 = arith.index_cast %scan3A_360 : i32 to index
        %get3A_363 = arith.constant 0 : index
        %get3A_364 = tpu.vector_load %arg20[%get3A_362, %get3A_363] {strides = array<i32>} : memref<128x128xf32, #tpu.memory_space<vmem>>, vector<16xf32>,
        %mul3A_365 = arith.mulf %get3A_364, %gather3A_361 : vector<16xf32>
        %swap3A_366 = arith.index_cast %scan3A_360 : i32 to index
        %swap3A_367 = arith.constant 0 : index
        %swap3A_368 = tpu.vector_load %arg20[%swap3A_366, %swap3A_367] {strides = array<i32>} : memref<128x128xf32, #tpu.memory_space<vmem>>, vector<16xf32>,
        tpu.vector_store %arg20[%swap3A_366, %swap3A_367], %mul3A_365 {strides = array<i32>} : memref<128x128xf32, #tpu.memory_space<vmem>>, vector<16xf32>,
        %get3A_369 = arith.index_cast %scan3A_360 : i32 to index
        %get3A_370 = arith.constant 16 : index
        %get3A_371 = tpu.vector_load %arg20[%get3A_369, %get3A_370] {strides = array<i32>} : memref<128x128xf32, #tpu.memory_space<vmem>>, vector<16xf32>,
        %mul3A_372 = arith.mulf %get3A_371, %gather3A_361 : vector<16xf32>
        %swap3A_373 = arith.index_cast %scan3A_360 : i32 to index
        %swap3A_374 = arith.constant 16 : index
        %swap3A_375 = tpu.vector_load %arg20[%swap3A_373, %swap3A_374] {strides = array<i32>} : memref<128x128xf32, #tpu.memory_space<vmem>>, vector<16xf32>,
        tpu.vector_store %arg20[%swap3A_373, %swap3A_374], %mul3A_372 {strides = array<i32>} : memref<128x128xf32, #tpu.memory_space<vmem>>, vector<16xf32>,
        %get3A_376 = arith.index_cast %scan3A_360 : i32 to index
        %get3A_377 = arith.constant 32 : index
        %get3A_378 = tpu.vector_load %arg20[%get3A_376, %get3A_377] {strides = array<i32>} : memref<128x128xf32, #tpu.memory_space<vmem>>, vector<16xf32>,
        %mul3A_379 = arith.mulf %get3A_378, %gather3A_361 : vector<16xf32>
        %swap3A_380 = arith.index_cast %scan3A_360 : i32 to index
        %swap3A_381 = arith.constant 32 : index
        %swap3A_382 = tpu.vector_load %arg20[%swap3A_380, %swap3A_381] {strides = array<i32>} : memref<128x128xf32, #tpu.memory_space<vmem>>, vector<16xf32>,
        tpu.vector_store %arg20[%swap3A_380, %swap3A_381], %mul3A_379 {strides = array<i32>} : memref<128x128xf32, #tpu.memory_space<vmem>>, vector<16xf32>,
        %get3A_383 = arith.index_cast %scan3A_360 : i32 to index
        %get3A_384 = arith.constant 48 : index
        %get3A_385 = tpu.vector_load %arg20[%get3A_383, %get3A_384] {strides = array<i32>} : memref<128x128xf32, #tpu.memory_space<vmem>>, vector<16xf32>,
        %mul3A_386 = arith.mulf %get3A_385, %gather3A_361 : vector<16xf32>
        %swap3A_387 = arith.index_cast %scan3A_360 : i32 to index
        %swap3A_388 = arith.constant 48 : index
        %swap3A_389 = tpu.vector_load %arg20[%swap3A_387, %swap3A_388] {strides = array<i32>} : memref<128x128xf32, #tpu.memory_space<vmem>>, vector<16xf32>,
        tpu.vector_store %arg20[%swap3A_387, %swap3A_388], %mul3A_386 {strides = array<i32>} : memref<128x128xf32, #tpu.memory_space<vmem>>, vector<16xf32>,
        %get3A_390 = arith.index_cast %scan3A_360 : i32 to index
        %get3A_391 = arith.constant 64 : index
        %get3A_392 = tpu.vector_load %arg20[%get3A_390, %get3A_391] {strides = array<i32>} : memref<128x128xf32, #tpu.memory_space<vmem>>, vector<16xf32>,
        %mul3A_393 = arith.mulf %get3A_392, %gather3A_361 : vector<16xf32>
        %swap3A_394 = arith.index_cast %scan3A_360 : i32 to index
        %swap3A_395 = arith.constant 64 : index
        %swap3A_396 = tpu.vector_load %arg20[%swap3A_394, %swap3A_395] {strides = array<i32>} : memref<128x128xf32, #tpu.memory_space<vmem>>, vector<16xf32>,
        tpu.vector_store %arg20[%swap3A_394, %swap3A_395], %mul3A_393 {strides = array<i32>} : memref<128x128xf32, #tpu.memory_space<vmem>>, vector<16xf32>,
        %get3A_397 = arith.index_cast %scan3A_360 : i32 to index
        %get3A_398 = arith.constant 80 : index
        %get3A_399 = tpu.vector_load %arg20[%get3A_397, %get3A_398] {strides = array<i32>} : memref<128x128xf32, #tpu.memory_space<vmem>>, vector<16xf32>,
        %mul3A_400 = arith.mulf %get3A_399, %gather3A_361 : vector<16xf32>
        %swap3A_401 = arith.index_cast %scan3A_360 : i32 to index
        %swap3A_402 = arith.constant 80 : index
        %swap3A_403 = tpu.vector_load %arg20[%swap3A_401, %swap3A_402] {strides = array<i32>} : memref<128x128xf32, #tpu.memory_space<vmem>>, vector<16xf32>,
        tpu.vector_store %arg20[%swap3A_401, %swap3A_402], %mul3A_400 {strides = array<i32>} : memref<128x128xf32, #tpu.memory_space<vmem>>, vector<16xf32>,
        %get3A_404 = arith.index_cast %scan3A_360 : i32 to index
        %get3A_405 = arith.constant 96 : index
        %get3A_406 = tpu.vector_load %arg20[%get3A_404, %get3A_405] {strides = array<i32>} : memref<128x128xf32, #tpu.memory_space<vmem>>, vector<16xf32>,
        %mul3A_407 = arith.mulf %get3A_406, %gather3A_361 : vector<16xf32>
        %swap3A_408 = arith.index_cast %scan3A_360 : i32 to index
        %swap3A_409 = arith.constant 96 : index
        %swap3A_410 = tpu.vector_load %arg20[%swap3A_408, %swap3A_409] {strides = array<i32>} : memref<128x128xf32, #tpu.memory_space<vmem>>, vector<16xf32>,
        tpu.vector_store %arg20[%swap3A_408, %swap3A_409], %mul3A_407 {strides = array<i32>} : memref<128x128xf32, #tpu.memory_space<vmem>>, vector<16xf32>,
        %get3A_411 = arith.index_cast %scan3A_360 : i32 to index
        %get3A_412 = arith.constant 112 : index
        %get3A_413 = tpu.vector_load %arg20[%get3A_411, %get3A_412] {strides = array<i32>} : memref<128x128xf32, #tpu.memory_space<vmem>>, vector<16xf32>,
        %mul3A_414 = arith.mulf %get3A_413, %gather3A_361 : vector<16xf32>
        %swap3A_415 = arith.index_cast %scan3A_360 : i32 to index
        %swap3A_416 = arith.constant 112 : index
        %swap3A_417 = tpu.vector_load %arg20[%swap3A_415, %swap3A_416] {strides = array<i32>} : memref<128x128xf32, #tpu.memory_space<vmem>>, vector<16xf32>,
        tpu.vector_store %arg20[%swap3A_415, %swap3A_416], %mul3A_414 {strides = array<i32>} : memref<128x128xf32, #tpu.memory_space<vmem>>, vector<16xf32>,
        %scan3A_418 = arith.constant 1 : i32
        %scan3A_419 = arith.addi %scan3A_360, %scan3A_418 : i32
        %broadcast_in_dim3A_420 = vector.broadcast %scan3A_419 : i32 to vector<16xi32>
        %gather3A_421 = tpu.vector_load_idx %arg19[%broadcast_in_dim3A_420] : memref<128xf32, #tpu.memory_space<vmem>>[vector<16xi32>], vector<16xf32>,
        %get3A_422 = arith.index_cast %scan3A_419 : i32 to index
        %get3A_423 = arith.constant 0 : index
        %get3A_424 = tpu.vector_load %arg20[%get3A_422, %get3A_423] {strides = array<i32>} : memref<128x128xf32, #tpu.memory_space<vmem>>, vector<16xf32>,
        %mul3A_425 = arith.mulf %get3A_424, %gather3A_421 : vector<16xf32>
        %swap3A_426 = arith.index_cast %scan3A_419 : i32 to index
        %swap3A_427 = arith.constant 0 : index
        %swap3A_428 = tpu.vector_load %arg20[%swap3A_426, %swap3A_427] {strides = array<i32>} : memref<128x128xf32, #tpu.memory_space<vmem>>, vector<16xf32>,
        tpu.vector_store %arg20[%swap3A_426, %swap3A_427], %mul3A_425 {strides = array<i32>} : memref<128x128xf32, #tpu.memory_space<vmem>>, vector<16xf32>,
        %get3A_429 = arith.index_cast %scan3A_419 : i32 to index
        %get3A_430 = arith.constant 16 : index
        %get3A_431 = tpu.vector_load %arg20[%get3A_429, %get3A_430] {strides = array<i32>} : memref<128x128xf32, #tpu.memory_space<vmem>>, vector<16xf32>,
        %mul3A_432 = arith.mulf %get3A_431, %gather3A_421 : vector<16xf32>
        %swap3A_433 = arith.index_cast %scan3A_419 : i32 to index
        %swap3A_434 = arith.constant 16 : index
        %swap3A_435 = tpu.vector_load %arg20[%swap3A_433, %swap3A_434] {strides = array<i32>} : memref<128x128xf32, #tpu.memory_space<vmem>>, vector<16xf32>,
        tpu.vector_store %arg20[%swap3A_433, %swap3A_434], %mul3A_432 {strides = array<i32>} : memref<128x128xf32, #tpu.memory_space<vmem>>, vector<16xf32>,
        %get3A_436 = arith.index_cast %scan3A_419 : i32 to index
        %get3A_437 = arith.constant 32 : index
        %get3A_438 = tpu.vector_load %arg20[%get3A_436, %get3A_437] {strides = array<i32>} : memref<128x128xf32, #tpu.memory_space<vmem>>, vector<16xf32>,
        %mul3A_439 = arith.mulf %get3A_438, %gather3A_421 : vector<16xf32>
        %swap3A_440 = arith.index_cast %scan3A_419 : i32 to index
        %swap3A_441 = arith.constant 32 : index
        %swap3A_442 = tpu.vector_load %arg20[%swap3A_440, %swap3A_441] {strides = array<i32>} : memref<128x128xf32, #tpu.memory_space<vmem>>, vector<16xf32>,
        tpu.vector_store %arg20[%swap3A_440, %swap3A_441], %mul3A_439 {strides = array<i32>} : memref<128x128xf32, #tpu.memory_space<vmem>>, vector<16xf32>,
        %get3A_443 = arith.index_cast %scan3A_419 : i32 to index
        %get3A_444 = arith.constant 48 : index
        %get3A_445 = tpu.vector_load %arg20[%get3A_443, %get3A_444] {strides = array<i32>} : memref<128x128xf32, #tpu.memory_space<vmem>>, vector<16xf32>,
        %mul3A_446 = arith.mulf %get3A_445, %gather3A_421 : vector<16xf32>
        %swap3A_447 = arith.index_cast %scan3A_419 : i32 to index
        %swap3A_448 = arith.constant 48 : index
        %swap3A_449 = tpu.vector_load %arg20[%swap3A_447, %swap3A_448] {strides = array<i32>} : memref<128x128xf32, #tpu.memory_space<vmem>>, vector<16xf32>,
        tpu.vector_store %arg20[%swap3A_447, %swap3A_448], %mul3A_446 {strides = array<i32>} : memref<128x128xf32, #tpu.memory_space<vmem>>, vector<16xf32>,
        %get3A_450 = arith.index_cast %scan3A_419 : i32 to index
        %get3A_451 = arith.constant 64 : index
        %get3A_452 = tpu.vector_load %arg20[%get3A_450, %get3A_451] {strides = array<i32>} : memref<128x128xf32, #tpu.memory_space<vmem>>, vector<16xf32>,
        %mul3A_453 = arith.mulf %get3A_452, %gather3A_421 : vector<16xf32>
        %swap3A_454 = arith.index_cast %scan3A_419 : i32 to index
        %swap3A_455 = arith.constant 64 : index
        %swap3A_456 = tpu.vector_load %arg20[%swap3A_454, %swap3A_455] {strides = array<i32>} : memref<128x128xf32, #tpu.memory_space<vmem>>, vector<16xf32>,
        tpu.vector_store %arg20[%swap3A_454, %swap3A_455], %mul3A_453 {strides = array<i32>} : memref<128x128xf32, #tpu.memory_space<vmem>>, vector<16xf32>,
        %get3A_457 = arith.index_cast %scan3A_419 : i32 to index
        %get3A_458 = arith.constant 80 : index
        %get3A_459 = tpu.vector_load %arg20[%get3A_457, %get3A_458] {strides = array<i32>} : memref<128x128xf32, #tpu.memory_space<vmem>>, vector<16xf32>,
        %mul3A_460 = arith.mulf %get3A_459, %gather3A_421 : vector<16xf32>
        %swap3A_461 = arith.index_cast %scan3A_419 : i32 to index
        %swap3A_462 = arith.constant 80 : index
        %swap3A_463 = tpu.vector_load %arg20[%swap3A_461, %swap3A_462] {strides = array<i32>} : memref<128x128xf32, #tpu.memory_space<vmem>>, vector<16xf32>,
        tpu.vector_store %arg20[%swap3A_461, %swap3A_462], %mul3A_460 {strides = array<i32>} : memref<128x128xf32, #tpu.memory_space<vmem>>, vector<16xf32>,
        %get3A_464 = arith.index_cast %scan3A_419 : i32 to index
        %get3A_465 = arith.constant 96 : index
        %get3A_466 = tpu.vector_load %arg20[%get3A_464, %get3A_465] {strides = array<i32>} : memref<128x128xf32, #tpu.memory_space<vmem>>, vector<16xf32>,
        %mul3A_467 = arith.mulf %get3A_466, %gather3A_421 : vector<16xf32>
        %swap3A_468 = arith.index_cast %scan3A_419 : i32 to index
        %swap3A_469 = arith.constant 96 : index
        %swap3A_470 = tpu.vector_load %arg20[%swap3A_468, %swap3A_469] {strides = array<i32>} : memref<128x128xf32, #tpu.memory_space<vmem>>, vector<16xf32>,
        tpu.vector_store %arg20[%swap3A_468, %swap3A_469], %mul3A_467 {strides = array<i32>} : memref<128x128xf32, #tpu.memory_space<vmem>>, vector<16xf32>,
        %get3A_471 = arith.index_cast %scan3A_419 : i32 to index
        %get3A_472 = arith.constant 112 : index
        %get3A_473 = tpu.vector_load %arg20[%get3A_471, %get3A_472] {strides = array<i32>} : memref<128x128xf32, #tpu.memory_space<vmem>>, vector<16xf32>,
        %mul3A_474 = arith.mulf %get3A_473, %gather3A_421 : vector<16xf32>
        %swap3A_475 = arith.index_cast %scan3A_419 : i32 to index
        %swap3A_476 = arith.constant 112 : index
        %swap3A_477 = tpu.vector_load %arg20[%swap3A_475, %swap3A_476] {strides = array<i32>} : memref<128x128xf32, #tpu.memory_space<vmem>>, vector<16xf32>,
        tpu.vector_store %arg20[%swap3A_475, %swap3A_476], %mul3A_474 {strides = array<i32>} : memref<128x128xf32, #tpu.memory_space<vmem>>, vector<16xf32>,
      }
      %scan3A_177 = arith.constant 128 : i32
      %dma_start3A_178 = arith.constant 0 : i32
      %dma_start3A_179 = arith.constant 0 : i32
      %dma_start3A_180 = tpu.memref_slice %arg21[%dma_start3A_178, %dma_start3A_179] : memref<10240x128xf32, #tpu.memory_space<vmem_shared>> -> memref<10240x128xf32, #tpu.memory_space<vmem_shared>>
      tpu.enqueue_indirect_dma source(%arg20 : memref<128x128xf32, #tpu.memory_space<vmem>>) target(%dma_start3A_180 : memref<10240x128xf32, #tpu.memory_space<vmem_shared>>) offsets(%arg16 : memref<128xi32, #tpu.memory_space<vmem>>) semaphore(%arg25 : memref<!tpu.dma_semaphore, #tpu.memory_space<semaphore_mem>>) {add = true}
      %dma_start3A_181 = arith.constant 0 : i32
      %dma_start3A_182 = tpu.memref_slice %arg22[%dma_start3A_181] : memref<10240xf32, #tpu.memory_space<vmem_shared>> -> memref<10240xf32, #tpu.memory_space<vmem_shared>>
      tpu.enqueue_indirect_dma source(%arg19 : memref<128xf32, #tpu.memory_space<vmem>>) target(%dma_start3A_182 : memref<10240xf32, #tpu.memory_space<vmem_shared>>) offsets(%arg16 : memref<128xi32, #tpu.memory_space<vmem>>) semaphore(%arg25 : memref<!tpu.dma_semaphore, #tpu.memory_space<semaphore_mem>>) {add = true}
      %le3A_183 = arith.constant 78 : i32
      %le3A_184 = arith.cmpi sle, %mul3A_27, %le3A_183 : i32
      %convert_element_type3A_185 = arith.extui %le3A_184 : i1 to i32
      %cond3A_186 = arith.constant 0 : i32
      %cond3A_187 = arith.cmpi ne, %convert_element_type3A_185, %cond3A_186 : i32
      scf.if %cond3A_187 {
        %add3A_360 = arith.constant 1 : i32
        %add3A_361 = arith.addi %mul3A_27, %add3A_360 : i32
        %mul3A_362 = arith.constant 80 : i32
        %mul3A_363 = arith.muli %add3A, %mul3A_362 : i32
        %add3A_364 = arith.addi %mul3A_363, %add3A_361 : i32
        %mul3A_365 = arith.constant 128 : i32
        %mul3A_366 = arith.muli %add3A_364, %mul3A_365 : i32
        %dma_wait3A_367 = tpu.memref_slice %arg2[%mul3A_366] : memref<327680xi32, #tpu.memory_space<hbm>> -> memref<128xi32, #tpu.memory_space<hbm>>
        %dma_wait3A_368 = tpu.memref_slice %arg2[%mul3A_366] : memref<327680xi32, #tpu.memory_space<hbm>> -> memref<128xi32, #tpu.memory_space<hbm>>
        tpu.wait_dma2 semaphore(%arg23 : memref<!tpu.dma_semaphore, #tpu.memory_space<semaphore_mem>>) src(%dma_wait3A_368 : memref<128xi32, #tpu.memory_space<hbm>>) dst(%arg17 : memref<128xi32, #tpu.memory_space<vmem>>)
        %dma_wait3A_369 = tpu.memref_slice %arg3[%mul3A_366] : memref<327680xi32, #tpu.memory_space<hbm>> -> memref<128xi32, #tpu.memory_space<hbm>>
        %dma_wait3A_370 = tpu.memref_slice %arg3[%mul3A_366] : memref<327680xi32, #tpu.memory_space<hbm>> -> memref<128xi32, #tpu.memory_space<hbm>>
        tpu.wait_dma2 semaphore(%arg23 : memref<!tpu.dma_semaphore, #tpu.memory_space<semaphore_mem>>) src(%dma_wait3A_370 : memref<128xi32, #tpu.memory_space<hbm>>) dst(%arg18 : memref<128xi32, #tpu.memory_space<vmem>>)
      } else {
      }
      %mul3A_188 = arith.constant 2 : i32
      %mul3A_189 = arith.muli %mul3A_188, %scan3A_25 : i32
      %add3A_190 = arith.constant 1 : i32
      %add3A_191 = arith.addi %mul3A_189, %add3A_190 : i32
      %ge3A_192 = arith.constant 1 : i32
      %ge3A_193 = arith.cmpi sge, %add3A_191, %ge3A_192 : i32
      %convert_element_type3A_194 = arith.extui %ge3A_193 : i1 to i32
      %cond3A_195 = arith.constant 0 : i32
      %cond3A_196 = arith.cmpi ne, %convert_element_type3A_194, %cond3A_195 : i32
      scf.if %cond3A_196 {
        %dma_wait3A_360 = arith.constant 0 : i32
        %dma_wait3A_361 = arith.constant 0 : i32
        %dma_wait3A_362 = tpu.memref_slice %arg21[%dma_wait3A_360, %dma_wait3A_361] : memref<10240x128xf32, #tpu.memory_space<vmem_shared>> -> memref<10240x128xf32, #tpu.memory_space<vmem_shared>>
        tpu.wait_indirect_dma semaphore(%arg25 : memref<!tpu.dma_semaphore, #tpu.memory_space<semaphore_mem>>) src(%arg20 : memref<128x128xf32, #tpu.memory_space<vmem>>) dst(%dma_wait3A_362 : memref<10240x128xf32, #tpu.memory_space<vmem_shared>>)
        %dma_wait3A_363 = arith.constant 0 : i32
        %dma_wait3A_364 = tpu.memref_slice %arg22[%dma_wait3A_363] : memref<10240xf32, #tpu.memory_space<vmem_shared>> -> memref<10240xf32, #tpu.memory_space<vmem_shared>>
        tpu.wait_indirect_dma semaphore(%arg25 : memref<!tpu.dma_semaphore, #tpu.memory_space<semaphore_mem>>) src(%arg19 : memref<128xf32, #tpu.memory_space<vmem>>) dst(%dma_wait3A_364 : memref<10240xf32, #tpu.memory_space<vmem_shared>>)
      } else {
      }
      %le3A_197 = arith.constant 78 : i32
      %le3A_198 = arith.cmpi sle, %add3A_191, %le3A_197 : i32
      %convert_element_type3A_199 = arith.extui %le3A_198 : i1 to i32
      %cond3A_200 = arith.constant 0 : i32
      %cond3A_201 = arith.cmpi ne, %convert_element_type3A_199, %cond3A_200 : i32
      scf.if %cond3A_201 {
        %add3A_360 = arith.constant 1 : i32
        %add3A_361 = arith.addi %add3A_191, %add3A_360 : i32
        %mul3A_362 = arith.constant 80 : i32
        %mul3A_363 = arith.muli %add3A, %mul3A_362 : i32
        %add3A_364 = arith.addi %mul3A_363, %add3A_361 : i32
        %mul3A_365 = arith.constant 128 : i32
        %mul3A_366 = arith.muli %add3A_364, %mul3A_365 : i32
        %dma_start3A_367 = tpu.memref_slice %arg2[%mul3A_366] : memref<327680xi32, #tpu.memory_space<hbm>> -> memref<128xi32, #tpu.memory_space<hbm>>
        %dma_start3A_368 = tpu.memref_slice %arg2[%mul3A_366] : memref<327680xi32, #tpu.memory_space<hbm>> -> memref<128xi32, #tpu.memory_space<hbm>>
        tpu.enqueue_dma source(%dma_start3A_368 : memref<128xi32, #tpu.memory_space<hbm>>) target(%arg15 : memref<128xi32, #tpu.memory_space<vmem>>) target_semaphore(%arg23 : memref<!tpu.dma_semaphore, #tpu.memory_space<semaphore_mem>>)
        %dma_start3A_369 = tpu.memref_slice %arg3[%mul3A_366] : memref<327680xi32, #tpu.memory_space<hbm>> -> memref<128xi32, #tpu.memory_space<hbm>>
        %dma_start3A_370 = tpu.memref_slice %arg3[%mul3A_366] : memref<327680xi32, #tpu.memory_space<hbm>> -> memref<128xi32, #tpu.memory_space<hbm>>
        tpu.enqueue_dma source(%dma_start3A_370 : memref<128xi32, #tpu.memory_space<hbm>>) target(%arg16 : memref<128xi32, #tpu.memory_space<vmem>>) target_semaphore(%arg23 : memref<!tpu.dma_semaphore, #tpu.memory_space<semaphore_mem>>)
      } else {
      }
      %dma_start3A_202 = arith.constant 0 : i32
      %dma_start3A_203 = arith.constant 0 : i32
      %dma_start3A_204 = tpu.memref_slice %arg6[%dma_start3A_202, %dma_start3A_203] : memref<10240x128xf32, #tpu.memory_space<hbm>> -> memref<10240x128xf32, #tpu.memory_space<hbm>>
      tpu.enqueue_indirect_dma source(%dma_start3A_204 : memref<10240x128xf32, #tpu.memory_space<hbm>>) target(%arg20 : memref<128x128xf32, #tpu.memory_space<vmem>>) offsets(%arg17 : memref<128xi32, #tpu.memory_space<vmem>>) semaphore(%arg24 : memref<!tpu.dma_semaphore, #tpu.memory_space<semaphore_mem>>)
      %get3A_205 = arith.constant 0 : index
      %get3A_206 = tpu.vector_load %arg17[%get3A_205] {strides = array<i32>} : memref<128xi32, #tpu.memory_space<vmem>>, vector<16xi32>,
      %get3A_207 = arith.constant 0 : index
      %get3A_208 = tpu.vector_load %arg18[%get3A_207] {strides = array<i32>} : memref<128xi32, #tpu.memory_space<vmem>>, vector<16xi32>,
      %gather3A_209 = tpu.vector_load_idx %arg13[%get3A_206] : memref<10240xf32, #tpu.memory_space<vmem>>[vector<16xi32>], vector<16xf32>,
      %gather3A_210 = tpu.vector_load_idx %arg14[%get3A_208] : memref<10240xf32, #tpu.memory_space<vmem>>[vector<16xi32>], vector<16xf32>,
      %add3A_211 = arith.addf %gather3A_209, %gather3A_210 : vector<16xf32>
      %ge3A_212 = arith.constant 0.000000e+00 : f32
      %ge3A_213 = vector.broadcast %ge3A_212 : f32 to vector<16xf32>
      %ge3A_214 = arith.cmpf oge, %add3A_211, %ge3A_213 : vector<16xf32>
      %mul3A_215 = arith.constant 2.000000e-01 : f32
      %mul3A_216 = vector.broadcast %mul3A_215 : f32 to vector<16xf32>
      %mul3A_217 = arith.mulf %mul3A_216, %add3A_211 : vector<16xf32>
      %select_n3A_218 = arith.select %ge3A_214, %add3A_211, %mul3A_217 : vector<16xi1>, vector<16xf32>
      %exp3A_219 = math.exp %select_n3A_218 : vector<16xf32>
      %swap3A_220 = arith.constant 0 : index
      %swap3A_221 = tpu.vector_load %arg19[%swap3A_220] {strides = array<i32>} : memref<128xf32, #tpu.memory_space<vmem>>, vector<16xf32>,
      tpu.vector_store %arg19[%swap3A_220], %exp3A_219 {strides = array<i32>} : memref<128xf32, #tpu.memory_space<vmem>>, vector<16xf32>,
      %get3A_222 = arith.constant 16 : index
      %get3A_223 = tpu.vector_load %arg17[%get3A_222] {strides = array<i32>} : memref<128xi32, #tpu.memory_space<vmem>>, vector<16xi32>,
      %get3A_224 = arith.constant 16 : index
      %get3A_225 = tpu.vector_load %arg18[%get3A_224] {strides = array<i32>} : memref<128xi32, #tpu.memory_space<vmem>>, vector<16xi32>,
      %gather3A_226 = tpu.vector_load_idx %arg13[%get3A_223] : memref<10240xf32, #tpu.memory_space<vmem>>[vector<16xi32>], vector<16xf32>,
      %gather3A_227 = tpu.vector_load_idx %arg14[%get3A_225] : memref<10240xf32, #tpu.memory_space<vmem>>[vector<16xi32>], vector<16xf32>,
      %add3A_228 = arith.addf %gather3A_226, %gather3A_227 : vector<16xf32>
      %ge3A_229 = arith.constant 0.000000e+00 : f32
      %ge3A_230 = vector.broadcast %ge3A_229 : f32 to vector<16xf32>
      %ge3A_231 = arith.cmpf oge, %add3A_228, %ge3A_230 : vector<16xf32>
      %mul3A_232 = arith.constant 2.000000e-01 : f32
      %mul3A_233 = vector.broadcast %mul3A_232 : f32 to vector<16xf32>
      %mul3A_234 = arith.mulf %mul3A_233, %add3A_228 : vector<16xf32>
      %select_n3A_235 = arith.select %ge3A_231, %add3A_228, %mul3A_234 : vector<16xi1>, vector<16xf32>
      %exp3A_236 = math.exp %select_n3A_235 : vector<16xf32>
      %swap3A_237 = arith.constant 16 : index
      %swap3A_238 = tpu.vector_load %arg19[%swap3A_237] {strides = array<i32>} : memref<128xf32, #tpu.memory_space<vmem>>, vector<16xf32>,
      tpu.vector_store %arg19[%swap3A_237], %exp3A_236 {strides = array<i32>} : memref<128xf32, #tpu.memory_space<vmem>>, vector<16xf32>,
      %get3A_239 = arith.constant 32 : index
      %get3A_240 = tpu.vector_load %arg17[%get3A_239] {strides = array<i32>} : memref<128xi32, #tpu.memory_space<vmem>>, vector<16xi32>,
      %get3A_241 = arith.constant 32 : index
      %get3A_242 = tpu.vector_load %arg18[%get3A_241] {strides = array<i32>} : memref<128xi32, #tpu.memory_space<vmem>>, vector<16xi32>,
      %gather3A_243 = tpu.vector_load_idx %arg13[%get3A_240] : memref<10240xf32, #tpu.memory_space<vmem>>[vector<16xi32>], vector<16xf32>,
      %gather3A_244 = tpu.vector_load_idx %arg14[%get3A_242] : memref<10240xf32, #tpu.memory_space<vmem>>[vector<16xi32>], vector<16xf32>,
      %add3A_245 = arith.addf %gather3A_243, %gather3A_244 : vector<16xf32>
      %ge3A_246 = arith.constant 0.000000e+00 : f32
      %ge3A_247 = vector.broadcast %ge3A_246 : f32 to vector<16xf32>
      %ge3A_248 = arith.cmpf oge, %add3A_245, %ge3A_247 : vector<16xf32>
      %mul3A_249 = arith.constant 2.000000e-01 : f32
      %mul3A_250 = vector.broadcast %mul3A_249 : f32 to vector<16xf32>
      %mul3A_251 = arith.mulf %mul3A_250, %add3A_245 : vector<16xf32>
      %select_n3A_252 = arith.select %ge3A_248, %add3A_245, %mul3A_251 : vector<16xi1>, vector<16xf32>
      %exp3A_253 = math.exp %select_n3A_252 : vector<16xf32>
      %swap3A_254 = arith.constant 32 : index
      %swap3A_255 = tpu.vector_load %arg19[%swap3A_254] {strides = array<i32>} : memref<128xf32, #tpu.memory_space<vmem>>, vector<16xf32>,
      tpu.vector_store %arg19[%swap3A_254], %exp3A_253 {strides = array<i32>} : memref<128xf32, #tpu.memory_space<vmem>>, vector<16xf32>,
      %get3A_256 = arith.constant 48 : index
      %get3A_257 = tpu.vector_load %arg17[%get3A_256] {strides = array<i32>} : memref<128xi32, #tpu.memory_space<vmem>>, vector<16xi32>,
      %get3A_258 = arith.constant 48 : index
      %get3A_259 = tpu.vector_load %arg18[%get3A_258] {strides = array<i32>} : memref<128xi32, #tpu.memory_space<vmem>>, vector<16xi32>,
      %gather3A_260 = tpu.vector_load_idx %arg13[%get3A_257] : memref<10240xf32, #tpu.memory_space<vmem>>[vector<16xi32>], vector<16xf32>,
      %gather3A_261 = tpu.vector_load_idx %arg14[%get3A_259] : memref<10240xf32, #tpu.memory_space<vmem>>[vector<16xi32>], vector<16xf32>,
      %add3A_262 = arith.addf %gather3A_260, %gather3A_261 : vector<16xf32>
      %ge3A_263 = arith.constant 0.000000e+00 : f32
      %ge3A_264 = vector.broadcast %ge3A_263 : f32 to vector<16xf32>
      %ge3A_265 = arith.cmpf oge, %add3A_262, %ge3A_264 : vector<16xf32>
      %mul3A_266 = arith.constant 2.000000e-01 : f32
      %mul3A_267 = vector.broadcast %mul3A_266 : f32 to vector<16xf32>
      %mul3A_268 = arith.mulf %mul3A_267, %add3A_262 : vector<16xf32>
      %select_n3A_269 = arith.select %ge3A_265, %add3A_262, %mul3A_268 : vector<16xi1>, vector<16xf32>
      %exp3A_270 = math.exp %select_n3A_269 : vector<16xf32>
      %swap3A_271 = arith.constant 48 : index
      %swap3A_272 = tpu.vector_load %arg19[%swap3A_271] {strides = array<i32>} : memref<128xf32, #tpu.memory_space<vmem>>, vector<16xf32>,
      tpu.vector_store %arg19[%swap3A_271], %exp3A_270 {strides = array<i32>} : memref<128xf32, #tpu.memory_space<vmem>>, vector<16xf32>,
      %get3A_273 = arith.constant 64 : index
      %get3A_274 = tpu.vector_load %arg17[%get3A_273] {strides = array<i32>} : memref<128xi32, #tpu.memory_space<vmem>>, vector<16xi32>,
      %get3A_275 = arith.constant 64 : index
      %get3A_276 = tpu.vector_load %arg18[%get3A_275] {strides = array<i32>} : memref<128xi32, #tpu.memory_space<vmem>>, vector<16xi32>,
      %gather3A_277 = tpu.vector_load_idx %arg13[%get3A_274] : memref<10240xf32, #tpu.memory_space<vmem>>[vector<16xi32>], vector<16xf32>,
      %gather3A_278 = tpu.vector_load_idx %arg14[%get3A_276] : memref<10240xf32, #tpu.memory_space<vmem>>[vector<16xi32>], vector<16xf32>,
      %add3A_279 = arith.addf %gather3A_277, %gather3A_278 : vector<16xf32>
      %ge3A_280 = arith.constant 0.000000e+00 : f32
      %ge3A_281 = vector.broadcast %ge3A_280 : f32 to vector<16xf32>
      %ge3A_282 = arith.cmpf oge, %add3A_279, %ge3A_281 : vector<16xf32>
      %mul3A_283 = arith.constant 2.000000e-01 : f32
      %mul3A_284 = vector.broadcast %mul3A_283 : f32 to vector<16xf32>
      %mul3A_285 = arith.mulf %mul3A_284, %add3A_279 : vector<16xf32>
      %select_n3A_286 = arith.select %ge3A_282, %add3A_279, %mul3A_285 : vector<16xi1>, vector<16xf32>
      %exp3A_287 = math.exp %select_n3A_286 : vector<16xf32>
      %swap3A_288 = arith.constant 64 : index
      %swap3A_289 = tpu.vector_load %arg19[%swap3A_288] {strides = array<i32>} : memref<128xf32, #tpu.memory_space<vmem>>, vector<16xf32>,
      tpu.vector_store %arg19[%swap3A_288], %exp3A_287 {strides = array<i32>} : memref<128xf32, #tpu.memory_space<vmem>>, vector<16xf32>,
      %get3A_290 = arith.constant 80 : index
      %get3A_291 = tpu.vector_load %arg17[%get3A_290] {strides = array<i32>} : memref<128xi32, #tpu.memory_space<vmem>>, vector<16xi32>,
      %get3A_292 = arith.constant 80 : index
      %get3A_293 = tpu.vector_load %arg18[%get3A_292] {strides = array<i32>} : memref<128xi32, #tpu.memory_space<vmem>>, vector<16xi32>,
      %gather3A_294 = tpu.vector_load_idx %arg13[%get3A_291] : memref<10240xf32, #tpu.memory_space<vmem>>[vector<16xi32>], vector<16xf32>,
      %gather3A_295 = tpu.vector_load_idx %arg14[%get3A_293] : memref<10240xf32, #tpu.memory_space<vmem>>[vector<16xi32>], vector<16xf32>,
      %add3A_296 = arith.addf %gather3A_294, %gather3A_295 : vector<16xf32>
      %ge3A_297 = arith.constant 0.000000e+00 : f32
      %ge3A_298 = vector.broadcast %ge3A_297 : f32 to vector<16xf32>
      %ge3A_299 = arith.cmpf oge, %add3A_296, %ge3A_298 : vector<16xf32>
      %mul3A_300 = arith.constant 2.000000e-01 : f32
      %mul3A_301 = vector.broadcast %mul3A_300 : f32 to vector<16xf32>
      %mul3A_302 = arith.mulf %mul3A_301, %add3A_296 : vector<16xf32>
      %select_n3A_303 = arith.select %ge3A_299, %add3A_296, %mul3A_302 : vector<16xi1>, vector<16xf32>
      %exp3A_304 = math.exp %select_n3A_303 : vector<16xf32>
      %swap3A_305 = arith.constant 80 : index
      %swap3A_306 = tpu.vector_load %arg19[%swap3A_305] {strides = array<i32>} : memref<128xf32, #tpu.memory_space<vmem>>, vector<16xf32>,
      tpu.vector_store %arg19[%swap3A_305], %exp3A_304 {strides = array<i32>} : memref<128xf32, #tpu.memory_space<vmem>>, vector<16xf32>,
      %get3A_307 = arith.constant 96 : index
      %get3A_308 = tpu.vector_load %arg17[%get3A_307] {strides = array<i32>} : memref<128xi32, #tpu.memory_space<vmem>>, vector<16xi32>,
      %get3A_309 = arith.constant 96 : index
      %get3A_310 = tpu.vector_load %arg18[%get3A_309] {strides = array<i32>} : memref<128xi32, #tpu.memory_space<vmem>>, vector<16xi32>,
      %gather3A_311 = tpu.vector_load_idx %arg13[%get3A_308] : memref<10240xf32, #tpu.memory_space<vmem>>[vector<16xi32>], vector<16xf32>,
      %gather3A_312 = tpu.vector_load_idx %arg14[%get3A_310] : memref<10240xf32, #tpu.memory_space<vmem>>[vector<16xi32>], vector<16xf32>,
      %add3A_313 = arith.addf %gather3A_311, %gather3A_312 : vector<16xf32>
      %ge3A_314 = arith.constant 0.000000e+00 : f32
      %ge3A_315 = vector.broadcast %ge3A_314 : f32 to vector<16xf32>
      %ge3A_316 = arith.cmpf oge, %add3A_313, %ge3A_315 : vector<16xf32>
      %mul3A_317 = arith.constant 2.000000e-01 : f32
      %mul3A_318 = vector.broadcast %mul3A_317 : f32 to vector<16xf32>
      %mul3A_319 = arith.mulf %mul3A_318, %add3A_313 : vector<16xf32>
      %select_n3A_320 = arith.select %ge3A_316, %add3A_313, %mul3A_319 : vector<16xi1>, vector<16xf32>
      %exp3A_321 = math.exp %select_n3A_320 : vector<16xf32>
      %swap3A_322 = arith.constant 96 : index
      %swap3A_323 = tpu.vector_load %arg19[%swap3A_322] {strides = array<i32>} : memref<128xf32, #tpu.memory_space<vmem>>, vector<16xf32>,
      tpu.vector_store %arg19[%swap3A_322], %exp3A_321 {strides = array<i32>} : memref<128xf32, #tpu.memory_space<vmem>>, vector<16xf32>,
      %get3A_324 = arith.constant 112 : index
      %get3A_325 = tpu.vector_load %arg17[%get3A_324] {strides = array<i32>} : memref<128xi32, #tpu.memory_space<vmem>>, vector<16xi32>,
      %get3A_326 = arith.constant 112 : index
      %get3A_327 = tpu.vector_load %arg18[%get3A_326] {strides = array<i32>} : memref<128xi32, #tpu.memory_space<vmem>>, vector<16xi32>,
      %gather3A_328 = tpu.vector_load_idx %arg13[%get3A_325] : memref<10240xf32, #tpu.memory_space<vmem>>[vector<16xi32>], vector<16xf32>,
      %gather3A_329 = tpu.vector_load_idx %arg14[%get3A_327] : memref<10240xf32, #tpu.memory_space<vmem>>[vector<16xi32>], vector<16xf32>,
      %add3A_330 = arith.addf %gather3A_328, %gather3A_329 : vector<16xf32>
      %ge3A_331 = arith.constant 0.000000e+00 : f32
      %ge3A_332 = vector.broadcast %ge3A_331 : f32 to vector<16xf32>
      %ge3A_333 = arith.cmpf oge, %add3A_330, %ge3A_332 : vector<16xf32>
      %mul3A_334 = arith.constant 2.000000e-01 : f32
      %mul3A_335 = vector.broadcast %mul3A_334 : f32 to vector<16xf32>
      %mul3A_336 = arith.mulf %mul3A_335, %add3A_330 : vector<16xf32>
      %select_n3A_337 = arith.select %ge3A_333, %add3A_330, %mul3A_336 : vector<16xi1>, vector<16xf32>
      %exp3A_338 = math.exp %select_n3A_337 : vector<16xf32>
      %swap3A_339 = arith.constant 112 : index
      %swap3A_340 = tpu.vector_load %arg19[%swap3A_339] {strides = array<i32>} : memref<128xf32, #tpu.memory_space<vmem>>, vector<16xf32>,
      tpu.vector_store %arg19[%swap3A_339], %exp3A_338 {strides = array<i32>} : memref<128xf32, #tpu.memory_space<vmem>>, vector<16xf32>,
      %dma_wait3A_341 = arith.constant 0 : i32
      %dma_wait3A_342 = arith.constant 0 : i32
      %dma_wait3A_343 = tpu.memref_slice %arg6[%dma_wait3A_341, %dma_wait3A_342] : memref<10240x128xf32, #tpu.memory_space<hbm>> -> memref<10240x128xf32, #tpu.memory_space<hbm>>
      tpu.wait_indirect_dma semaphore(%arg24 : memref<!tpu.dma_semaphore, #tpu.memory_space<semaphore_mem>>) src(%dma_wait3A_343 : memref<10240x128xf32, #tpu.memory_space<hbm>>) dst(%arg20 : memref<128x128xf32, #tpu.memory_space<vmem>>)
      %scan3A_344 = arith.constant 0 : i32
      %scan3A_345 = arith.constant 0 : i32
      %scan3A_346 = arith.constant 128 : i32
      %scan3A_347 = arith.addi %scan3A_345, %scan3A_346 : i32
      %scan3A_348 = arith.constant 2 : i32
      scf.for %scan3A_360 = %scan3A_345 to %scan3A_347 step %scan3A_348  : i32 {
        %broadcast_in_dim3A = vector.broadcast %scan3A_360 : i32 to vector<16xi32>
        %gather3A_361 = tpu.vector_load_idx %arg19[%broadcast_in_dim3A] : memref<128xf32, #tpu.memory_space<vmem>>[vector<16xi32>], vector<16xf32>,
        %get3A_362 = arith.index_cast %scan3A_360 : i32 to index
        %get3A_363 = arith.constant 0 : index
        %get3A_364 = tpu.vector_load %arg20[%get3A_362, %get3A_363] {strides = array<i32>} : memref<128x128xf32, #tpu.memory_space<vmem>>, vector<16xf32>,
        %mul3A_365 = arith.mulf %get3A_364, %gather3A_361 : vector<16xf32>
        %swap3A_366 = arith.index_cast %scan3A_360 : i32 to index
        %swap3A_367 = arith.constant 0 : index
        %swap3A_368 = tpu.vector_load %arg20[%swap3A_366, %swap3A_367] {strides = array<i32>} : memref<128x128xf32, #tpu.memory_space<vmem>>, vector<16xf32>,
        tpu.vector_store %arg20[%swap3A_366, %swap3A_367], %mul3A_365 {strides = array<i32>} : memref<128x128xf32, #tpu.memory_space<vmem>>, vector<16xf32>,
        %get3A_369 = arith.index_cast %scan3A_360 : i32 to index
        %get3A_370 = arith.constant 16 : index
        %get3A_371 = tpu.vector_load %arg20[%get3A_369, %get3A_370] {strides = array<i32>} : memref<128x128xf32, #tpu.memory_space<vmem>>, vector<16xf32>,
        %mul3A_372 = arith.mulf %get3A_371, %gather3A_361 : vector<16xf32>
        %swap3A_373 = arith.index_cast %scan3A_360 : i32 to index
        %swap3A_374 = arith.constant 16 : index
        %swap3A_375 = tpu.vector_load %arg20[%swap3A_373, %swap3A_374] {strides = array<i32>} : memref<128x128xf32, #tpu.memory_space<vmem>>, vector<16xf32>,
        tpu.vector_store %arg20[%swap3A_373, %swap3A_374], %mul3A_372 {strides = array<i32>} : memref<128x128xf32, #tpu.memory_space<vmem>>, vector<16xf32>,
        %get3A_376 = arith.index_cast %scan3A_360 : i32 to index
        %get3A_377 = arith.constant 32 : index
        %get3A_378 = tpu.vector_load %arg20[%get3A_376, %get3A_377] {strides = array<i32>} : memref<128x128xf32, #tpu.memory_space<vmem>>, vector<16xf32>,
        %mul3A_379 = arith.mulf %get3A_378, %gather3A_361 : vector<16xf32>
        %swap3A_380 = arith.index_cast %scan3A_360 : i32 to index
        %swap3A_381 = arith.constant 32 : index
        %swap3A_382 = tpu.vector_load %arg20[%swap3A_380, %swap3A_381] {strides = array<i32>} : memref<128x128xf32, #tpu.memory_space<vmem>>, vector<16xf32>,
        tpu.vector_store %arg20[%swap3A_380, %swap3A_381], %mul3A_379 {strides = array<i32>} : memref<128x128xf32, #tpu.memory_space<vmem>>, vector<16xf32>,
        %get3A_383 = arith.index_cast %scan3A_360 : i32 to index
        %get3A_384 = arith.constant 48 : index
        %get3A_385 = tpu.vector_load %arg20[%get3A_383, %get3A_384] {strides = array<i32>} : memref<128x128xf32, #tpu.memory_space<vmem>>, vector<16xf32>,
        %mul3A_386 = arith.mulf %get3A_385, %gather3A_361 : vector<16xf32>
        %swap3A_387 = arith.index_cast %scan3A_360 : i32 to index
        %swap3A_388 = arith.constant 48 : index
        %swap3A_389 = tpu.vector_load %arg20[%swap3A_387, %swap3A_388] {strides = array<i32>} : memref<128x128xf32, #tpu.memory_space<vmem>>, vector<16xf32>,
        tpu.vector_store %arg20[%swap3A_387, %swap3A_388], %mul3A_386 {strides = array<i32>} : memref<128x128xf32, #tpu.memory_space<vmem>>, vector<16xf32>,
        %get3A_390 = arith.index_cast %scan3A_360 : i32 to index
        %get3A_391 = arith.constant 64 : index
        %get3A_392 = tpu.vector_load %arg20[%get3A_390, %get3A_391] {strides = array<i32>} : memref<128x128xf32, #tpu.memory_space<vmem>>, vector<16xf32>,
        %mul3A_393 = arith.mulf %get3A_392, %gather3A_361 : vector<16xf32>
        %swap3A_394 = arith.index_cast %scan3A_360 : i32 to index
        %swap3A_395 = arith.constant 64 : index
        %swap3A_396 = tpu.vector_load %arg20[%swap3A_394, %swap3A_395] {strides = array<i32>} : memref<128x128xf32, #tpu.memory_space<vmem>>, vector<16xf32>,
        tpu.vector_store %arg20[%swap3A_394, %swap3A_395], %mul3A_393 {strides = array<i32>} : memref<128x128xf32, #tpu.memory_space<vmem>>, vector<16xf32>,
        %get3A_397 = arith.index_cast %scan3A_360 : i32 to index
        %get3A_398 = arith.constant 80 : index
        %get3A_399 = tpu.vector_load %arg20[%get3A_397, %get3A_398] {strides = array<i32>} : memref<128x128xf32, #tpu.memory_space<vmem>>, vector<16xf32>,
        %mul3A_400 = arith.mulf %get3A_399, %gather3A_361 : vector<16xf32>
        %swap3A_401 = arith.index_cast %scan3A_360 : i32 to index
        %swap3A_402 = arith.constant 80 : index
        %swap3A_403 = tpu.vector_load %arg20[%swap3A_401, %swap3A_402] {strides = array<i32>} : memref<128x128xf32, #tpu.memory_space<vmem>>, vector<16xf32>,
        tpu.vector_store %arg20[%swap3A_401, %swap3A_402], %mul3A_400 {strides = array<i32>} : memref<128x128xf32, #tpu.memory_space<vmem>>, vector<16xf32>,
        %get3A_404 = arith.index_cast %scan3A_360 : i32 to index
        %get3A_405 = arith.constant 96 : index
        %get3A_406 = tpu.vector_load %arg20[%get3A_404, %get3A_405] {strides = array<i32>} : memref<128x128xf32, #tpu.memory_space<vmem>>, vector<16xf32>,
        %mul3A_407 = arith.mulf %get3A_406, %gather3A_361 : vector<16xf32>
        %swap3A_408 = arith.index_cast %scan3A_360 : i32 to index
        %swap3A_409 = arith.constant 96 : index
        %swap3A_410 = tpu.vector_load %arg20[%swap3A_408, %swap3A_409] {strides = array<i32>} : memref<128x128xf32, #tpu.memory_space<vmem>>, vector<16xf32>,
        tpu.vector_store %arg20[%swap3A_408, %swap3A_409], %mul3A_407 {strides = array<i32>} : memref<128x128xf32, #tpu.memory_space<vmem>>, vector<16xf32>,
        %get3A_411 = arith.index_cast %scan3A_360 : i32 to index
        %get3A_412 = arith.constant 112 : index
        %get3A_413 = tpu.vector_load %arg20[%get3A_411, %get3A_412] {strides = array<i32>} : memref<128x128xf32, #tpu.memory_space<vmem>>, vector<16xf32>,
        %mul3A_414 = arith.mulf %get3A_413, %gather3A_361 : vector<16xf32>
        %swap3A_415 = arith.index_cast %scan3A_360 : i32 to index
        %swap3A_416 = arith.constant 112 : index
        %swap3A_417 = tpu.vector_load %arg20[%swap3A_415, %swap3A_416] {strides = array<i32>} : memref<128x128xf32, #tpu.memory_space<vmem>>, vector<16xf32>,
        tpu.vector_store %arg20[%swap3A_415, %swap3A_416], %mul3A_414 {strides = array<i32>} : memref<128x128xf32, #tpu.memory_space<vmem>>, vector<16xf32>,
        %scan3A_418 = arith.constant 1 : i32
        %scan3A_419 = arith.addi %scan3A_360, %scan3A_418 : i32
        %broadcast_in_dim3A_420 = vector.broadcast %scan3A_419 : i32 to vector<16xi32>
        %gather3A_421 = tpu.vector_load_idx %arg19[%broadcast_in_dim3A_420] : memref<128xf32, #tpu.memory_space<vmem>>[vector<16xi32>], vector<16xf32>,
        %get3A_422 = arith.index_cast %scan3A_419 : i32 to index
        %get3A_423 = arith.constant 0 : index
        %get3A_424 = tpu.vector_load %arg20[%get3A_422, %get3A_423] {strides = array<i32>} : memref<128x128xf32, #tpu.memory_space<vmem>>, vector<16xf32>,
        %mul3A_425 = arith.mulf %get3A_424, %gather3A_421 : vector<16xf32>
        %swap3A_426 = arith.index_cast %scan3A_419 : i32 to index
        %swap3A_427 = arith.constant 0 : index
        %swap3A_428 = tpu.vector_load %arg20[%swap3A_426, %swap3A_427] {strides = array<i32>} : memref<128x128xf32, #tpu.memory_space<vmem>>, vector<16xf32>,
        tpu.vector_store %arg20[%swap3A_426, %swap3A_427], %mul3A_425 {strides = array<i32>} : memref<128x128xf32, #tpu.memory_space<vmem>>, vector<16xf32>,
        %get3A_429 = arith.index_cast %scan3A_419 : i32 to index
        %get3A_430 = arith.constant 16 : index
        %get3A_431 = tpu.vector_load %arg20[%get3A_429, %get3A_430] {strides = array<i32>} : memref<128x128xf32, #tpu.memory_space<vmem>>, vector<16xf32>,
        %mul3A_432 = arith.mulf %get3A_431, %gather3A_421 : vector<16xf32>
        %swap3A_433 = arith.index_cast %scan3A_419 : i32 to index
        %swap3A_434 = arith.constant 16 : index
        %swap3A_435 = tpu.vector_load %arg20[%swap3A_433, %swap3A_434] {strides = array<i32>} : memref<128x128xf32, #tpu.memory_space<vmem>>, vector<16xf32>,
        tpu.vector_store %arg20[%swap3A_433, %swap3A_434], %mul3A_432 {strides = array<i32>} : memref<128x128xf32, #tpu.memory_space<vmem>>, vector<16xf32>,
        %get3A_436 = arith.index_cast %scan3A_419 : i32 to index
        %get3A_437 = arith.constant 32 : index
        %get3A_438 = tpu.vector_load %arg20[%get3A_436, %get3A_437] {strides = array<i32>} : memref<128x128xf32, #tpu.memory_space<vmem>>, vector<16xf32>,
        %mul3A_439 = arith.mulf %get3A_438, %gather3A_421 : vector<16xf32>
        %swap3A_440 = arith.index_cast %scan3A_419 : i32 to index
        %swap3A_441 = arith.constant 32 : index
        %swap3A_442 = tpu.vector_load %arg20[%swap3A_440, %swap3A_441] {strides = array<i32>} : memref<128x128xf32, #tpu.memory_space<vmem>>, vector<16xf32>,
        tpu.vector_store %arg20[%swap3A_440, %swap3A_441], %mul3A_439 {strides = array<i32>} : memref<128x128xf32, #tpu.memory_space<vmem>>, vector<16xf32>,
        %get3A_443 = arith.index_cast %scan3A_419 : i32 to index
        %get3A_444 = arith.constant 48 : index
        %get3A_445 = tpu.vector_load %arg20[%get3A_443, %get3A_444] {strides = array<i32>} : memref<128x128xf32, #tpu.memory_space<vmem>>, vector<16xf32>,
        %mul3A_446 = arith.mulf %get3A_445, %gather3A_421 : vector<16xf32>
        %swap3A_447 = arith.index_cast %scan3A_419 : i32 to index
        %swap3A_448 = arith.constant 48 : index
        %swap3A_449 = tpu.vector_load %arg20[%swap3A_447, %swap3A_448] {strides = array<i32>} : memref<128x128xf32, #tpu.memory_space<vmem>>, vector<16xf32>,
        tpu.vector_store %arg20[%swap3A_447, %swap3A_448], %mul3A_446 {strides = array<i32>} : memref<128x128xf32, #tpu.memory_space<vmem>>, vector<16xf32>,
        %get3A_450 = arith.index_cast %scan3A_419 : i32 to index
        %get3A_451 = arith.constant 64 : index
        %get3A_452 = tpu.vector_load %arg20[%get3A_450, %get3A_451] {strides = array<i32>} : memref<128x128xf32, #tpu.memory_space<vmem>>, vector<16xf32>,
        %mul3A_453 = arith.mulf %get3A_452, %gather3A_421 : vector<16xf32>
        %swap3A_454 = arith.index_cast %scan3A_419 : i32 to index
        %swap3A_455 = arith.constant 64 : index
        %swap3A_456 = tpu.vector_load %arg20[%swap3A_454, %swap3A_455] {strides = array<i32>} : memref<128x128xf32, #tpu.memory_space<vmem>>, vector<16xf32>,
        tpu.vector_store %arg20[%swap3A_454, %swap3A_455], %mul3A_453 {strides = array<i32>} : memref<128x128xf32, #tpu.memory_space<vmem>>, vector<16xf32>,
        %get3A_457 = arith.index_cast %scan3A_419 : i32 to index
        %get3A_458 = arith.constant 80 : index
        %get3A_459 = tpu.vector_load %arg20[%get3A_457, %get3A_458] {strides = array<i32>} : memref<128x128xf32, #tpu.memory_space<vmem>>, vector<16xf32>,
        %mul3A_460 = arith.mulf %get3A_459, %gather3A_421 : vector<16xf32>
        %swap3A_461 = arith.index_cast %scan3A_419 : i32 to index
        %swap3A_462 = arith.constant 80 : index
        %swap3A_463 = tpu.vector_load %arg20[%swap3A_461, %swap3A_462] {strides = array<i32>} : memref<128x128xf32, #tpu.memory_space<vmem>>, vector<16xf32>,
        tpu.vector_store %arg20[%swap3A_461, %swap3A_462], %mul3A_460 {strides = array<i32>} : memref<128x128xf32, #tpu.memory_space<vmem>>, vector<16xf32>,
        %get3A_464 = arith.index_cast %scan3A_419 : i32 to index
        %get3A_465 = arith.constant 96 : index
        %get3A_466 = tpu.vector_load %arg20[%get3A_464, %get3A_465] {strides = array<i32>} : memref<128x128xf32, #tpu.memory_space<vmem>>, vector<16xf32>,
        %mul3A_467 = arith.mulf %get3A_466, %gather3A_421 : vector<16xf32>
        %swap3A_468 = arith.index_cast %scan3A_419 : i32 to index
        %swap3A_469 = arith.constant 96 : index
        %swap3A_470 = tpu.vector_load %arg20[%swap3A_468, %swap3A_469] {strides = array<i32>} : memref<128x128xf32, #tpu.memory_space<vmem>>, vector<16xf32>,
        tpu.vector_store %arg20[%swap3A_468, %swap3A_469], %mul3A_467 {strides = array<i32>} : memref<128x128xf32, #tpu.memory_space<vmem>>, vector<16xf32>,
        %get3A_471 = arith.index_cast %scan3A_419 : i32 to index
        %get3A_472 = arith.constant 112 : index
        %get3A_473 = tpu.vector_load %arg20[%get3A_471, %get3A_472] {strides = array<i32>} : memref<128x128xf32, #tpu.memory_space<vmem>>, vector<16xf32>,
        %mul3A_474 = arith.mulf %get3A_473, %gather3A_421 : vector<16xf32>
        %swap3A_475 = arith.index_cast %scan3A_419 : i32 to index
        %swap3A_476 = arith.constant 112 : index
        %swap3A_477 = tpu.vector_load %arg20[%swap3A_475, %swap3A_476] {strides = array<i32>} : memref<128x128xf32, #tpu.memory_space<vmem>>, vector<16xf32>,
        tpu.vector_store %arg20[%swap3A_475, %swap3A_476], %mul3A_474 {strides = array<i32>} : memref<128x128xf32, #tpu.memory_space<vmem>>, vector<16xf32>,
      }
      %scan3A_349 = arith.constant 128 : i32
      %dma_start3A_350 = arith.constant 0 : i32
      %dma_start3A_351 = arith.constant 0 : i32
      %dma_start3A_352 = tpu.memref_slice %arg21[%dma_start3A_350, %dma_start3A_351] : memref<10240x128xf32, #tpu.memory_space<vmem_shared>> -> memref<10240x128xf32, #tpu.memory_space<vmem_shared>>
      tpu.enqueue_indirect_dma source(%arg20 : memref<128x128xf32, #tpu.memory_space<vmem>>) target(%dma_start3A_352 : memref<10240x128xf32, #tpu.memory_space<vmem_shared>>) offsets(%arg18 : memref<128xi32, #tpu.memory_space<vmem>>) semaphore(%arg25 : memref<!tpu.dma_semaphore, #tpu.memory_space<semaphore_mem>>) {add = true}
      %dma_start3A_353 = arith.constant 0 : i32
      %dma_start3A_354 = tpu.memref_slice %arg22[%dma_start3A_353] : memref<10240xf32, #tpu.memory_space<vmem_shared>> -> memref<10240xf32, #tpu.memory_space<vmem_shared>>
      tpu.enqueue_indirect_dma source(%arg19 : memref<128xf32, #tpu.memory_space<vmem>>) target(%dma_start3A_354 : memref<10240xf32, #tpu.memory_space<vmem_shared>>) offsets(%arg18 : memref<128xi32, #tpu.memory_space<vmem>>) semaphore(%arg25 : memref<!tpu.dma_semaphore, #tpu.memory_space<semaphore_mem>>) {add = true}
      %le3A_355 = arith.constant 78 : i32
      %le3A_356 = arith.cmpi sle, %add3A_191, %le3A_355 : i32
      %convert_element_type3A_357 = arith.extui %le3A_356 : i1 to i32
      %cond3A_358 = arith.constant 0 : i32
      %cond3A_359 = arith.cmpi ne, %convert_element_type3A_357, %cond3A_358 : i32
      scf.if %cond3A_359 {
        %add3A_360 = arith.constant 1 : i32
        %add3A_361 = arith.addi %add3A_191, %add3A_360 : i32
        %mul3A_362 = arith.constant 80 : i32
        %mul3A_363 = arith.muli %add3A, %mul3A_362 : i32
        %add3A_364 = arith.addi %mul3A_363, %add3A_361 : i32
        %mul3A_365 = arith.constant 128 : i32
        %mul3A_366 = arith.muli %add3A_364, %mul3A_365 : i32
        %dma_wait3A_367 = tpu.memref_slice %arg2[%mul3A_366] : memref<327680xi32, #tpu.memory_space<hbm>> -> memref<128xi32, #tpu.memory_space<hbm>>
        %dma_wait3A_368 = tpu.memref_slice %arg2[%mul3A_366] : memref<327680xi32, #tpu.memory_space<hbm>> -> memref<128xi32, #tpu.memory_space<hbm>>
        tpu.wait_dma2 semaphore(%arg23 : memref<!tpu.dma_semaphore, #tpu.memory_space<semaphore_mem>>) src(%dma_wait3A_368 : memref<128xi32, #tpu.memory_space<hbm>>) dst(%arg15 : memref<128xi32, #tpu.memory_space<vmem>>)
        %dma_wait3A_369 = tpu.memref_slice %arg3[%mul3A_366] : memref<327680xi32, #tpu.memory_space<hbm>> -> memref<128xi32, #tpu.memory_space<hbm>>
        %dma_wait3A_370 = tpu.memref_slice %arg3[%mul3A_366] : memref<327680xi32, #tpu.memory_space<hbm>> -> memref<128xi32, #tpu.memory_space<hbm>>
        tpu.wait_dma2 semaphore(%arg23 : memref<!tpu.dma_semaphore, #tpu.memory_space<semaphore_mem>>) src(%dma_wait3A_370 : memref<128xi32, #tpu.memory_space<hbm>>) dst(%arg16 : memref<128xi32, #tpu.memory_space<vmem>>)
      } else {
      }
    }
    %scan3A_19 = arith.constant 40 : i32
    %dma_wait3A = arith.constant 0 : i32
    %dma_wait3A_20 = arith.constant 0 : i32
    %dma_wait3A_21 = tpu.memref_slice %arg21[%dma_wait3A, %dma_wait3A_20] : memref<10240x128xf32, #tpu.memory_space<vmem_shared>> -> memref<10240x128xf32, #tpu.memory_space<vmem_shared>>
    tpu.wait_indirect_dma semaphore(%arg25 : memref<!tpu.dma_semaphore, #tpu.memory_space<semaphore_mem>>) src(%arg20 : memref<128x128xf32, #tpu.memory_space<vmem>>) dst(%dma_wait3A_21 : memref<10240x128xf32, #tpu.memory_space<vmem_shared>>)
    %dma_wait3A_22 = arith.constant 0 : i32
    %dma_wait3A_23 = tpu.memref_slice %arg22[%dma_wait3A_22] : memref<10240xf32, #tpu.memory_space<vmem_shared>> -> memref<10240xf32, #tpu.memory_space<vmem_shared>>
    tpu.wait_indirect_dma semaphore(%arg25 : memref<!tpu.dma_semaphore, #tpu.memory_space<semaphore_mem>>) src(%arg19 : memref<128xf32, #tpu.memory_space<vmem>>) dst(%dma_wait3A_23 : memref<10240xf32, #tpu.memory_space<vmem_shared>>)
    %barrier3A_24 = arith.constant 0 : index
    tpu.barrier barrier_id(%barrier3A_24)
    "tpu.region"() ({
      %run_scoped3A = tpu.sem_alloc : memref<!tpu.dma_semaphore, #tpu.memory_space<semaphore_mem>>
      %dma_start3A = arith.constant 0 : i32
      %dma_start3A_25 = tpu.memref_slice %arg11[%arg0, %mul3A_2, %dma_start3A] : memref<2x10240x128xf32, #tpu.memory_space<hbm>> -> memref<1x640x128xf32, #tpu.memory_space<hbm>>
      %dma_start3A_26 = tpu.memref_squeeze %dma_start3A_25 : memref<1x640x128xf32, #tpu.memory_space<hbm>> -> memref<640x128xf32, #tpu.memory_space<hbm>>
      %dma_start3A_27 = arith.constant 0 : i32
      %dma_start3A_28 = tpu.memref_slice %arg21[%mul3A_2, %dma_start3A_27] : memref<10240x128xf32, #tpu.memory_space<vmem_shared>> -> memref<640x128xf32, #tpu.memory_space<vmem_shared>>
      tpu.enqueue_dma source(%dma_start3A_28 : memref<640x128xf32, #tpu.memory_space<vmem_shared>>) target(%dma_start3A_26 : memref<640x128xf32, #tpu.memory_space<hbm>>) target_semaphore(%run_scoped3A : memref<!tpu.dma_semaphore, #tpu.memory_space<semaphore_mem>>)
      %dma_wait3A_29 = arith.constant 0 : i32
      %dma_wait3A_30 = tpu.memref_slice %arg11[%arg0, %mul3A_2, %dma_wait3A_29] : memref<2x10240x128xf32, #tpu.memory_space<hbm>> -> memref<1x640x128xf32, #tpu.memory_space<hbm>>
      %dma_wait3A_31 = tpu.memref_squeeze %dma_wait3A_30 : memref<1x640x128xf32, #tpu.memory_space<hbm>> -> memref<640x128xf32, #tpu.memory_space<hbm>>
      %dma_wait3A_32 = arith.constant 0 : i32
      %dma_wait3A_33 = tpu.memref_slice %arg21[%mul3A_2, %dma_wait3A_32] : memref<10240x128xf32, #tpu.memory_space<vmem_shared>> -> memref<640x128xf32, #tpu.memory_space<vmem_shared>>
      tpu.wait_dma2 semaphore(%run_scoped3A : memref<!tpu.dma_semaphore, #tpu.memory_space<semaphore_mem>>) src(%dma_wait3A_33 : memref<640x128xf32, #tpu.memory_space<vmem_shared>>) dst(%dma_wait3A_31 : memref<640x128xf32, #tpu.memory_space<hbm>>)
      tpu.yield
    }) : () -> ()
    "tpu.region"() ({
      %run_scoped3A = tpu.sem_alloc : memref<!tpu.dma_semaphore, #tpu.memory_space<semaphore_mem>>
      %dma_start3A = tpu.memref_slice %arg12[%arg0, %mul3A_2] : memref<2x10240xf32, #tpu.memory_space<hbm>> -> memref<1x640xf32, #tpu.memory_space<hbm>>
      %dma_start3A_25 = tpu.memref_squeeze %dma_start3A : memref<1x640xf32, #tpu.memory_space<hbm>> -> memref<640xf32, #tpu.memory_space<hbm>>
      %dma_start3A_26 = tpu.memref_slice %arg22[%mul3A_2] : memref<10240xf32, #tpu.memory_space<vmem_shared>> -> memref<640xf32, #tpu.memory_space<vmem_shared>>
      tpu.enqueue_dma source(%dma_start3A_26 : memref<640xf32, #tpu.memory_space<vmem_shared>>) target(%dma_start3A_25 : memref<640xf32, #tpu.memory_space<hbm>>) target_semaphore(%run_scoped3A : memref<!tpu.dma_semaphore, #tpu.memory_space<semaphore_mem>>)
      %dma_wait3A_27 = tpu.memref_slice %arg12[%arg0, %mul3A_2] : memref<2x10240xf32, #tpu.memory_space<hbm>> -> memref<1x640xf32, #tpu.memory_space<hbm>>
      %dma_wait3A_28 = tpu.memref_squeeze %dma_wait3A_27 : memref<1x640xf32, #tpu.memory_space<hbm>> -> memref<640xf32, #tpu.memory_space<hbm>>
      %dma_wait3A_29 = tpu.memref_slice %arg22[%mul3A_2] : memref<10240xf32, #tpu.memory_space<vmem_shared>> -> memref<640xf32, #tpu.memory_space<vmem_shared>>
      tpu.wait_dma2 semaphore(%run_scoped3A : memref<!tpu.dma_semaphore, #tpu.memory_space<semaphore_mem>>) src(%dma_wait3A_29 : memref<640xf32, #tpu.memory_space<vmem_shared>>) dst(%dma_wait3A_28 : memref<640xf32, #tpu.memory_space<hbm>>)
      tpu.yield
    }) : () -> ()
    return
  }
}

module attributes {stable_mosaic.version = 14 : i64} {
  func.func @_pre_body(%arg0: i32, %arg1: memref<256x128xf32, #tpu.memory_space<vmem>>, %arg2: memref<128x128xf32, #tpu.memory_space<vmem>>, %arg3: memref<128x1xf32, #tpu.memory_space<vmem>>, %arg4: memref<128x1xf32, #tpu.memory_space<vmem>>, %arg5: memref<256x128xf32, #tpu.memory_space<vmem>>, %arg6: memref<256x1xf32, #tpu.memory_space<vmem>>, %arg7: memref<256x1xf32, #tpu.memory_space<vmem>>, %arg8: memref<256x1xf32, #tpu.memory_space<vmem>>, %arg9: memref<256x128xf32, #tpu.memory_space<vmem>>) attributes {dimension_semantics = [#tpu.dimension_semantics<arbitrary>], iteration_bounds = array<i64: 40>, scalar_prefetch = 0 : i64, scratch_operands = 0 : i64, tpu.core_type = #tpu.core_type<tc>, window_params = [{transform_indices = @transform_0, window_bounds = array<i64: 256, 128>}, {pipeline_mode = #tpu.pipeline_mode<synchronous>, transform_indices = @transform_1, window_bounds = array<i64: 128, 128>}, {pipeline_mode = #tpu.pipeline_mode<synchronous>, transform_indices = @transform_2, window_bounds = array<i64: 128, 1>}, {pipeline_mode = #tpu.pipeline_mode<synchronous>, transform_indices = @transform_3, window_bounds = array<i64: 128, 1>}, {transform_indices = @transform_4, window_bounds = array<i64: 256, 128>}, {transform_indices = @transform_5, window_bounds = array<i64: 256, 1>}, {transform_indices = @transform_6, window_bounds = array<i64: 256, 1>}, {transform_indices = @transform_7, window_bounds = array<i64: 256, 1>}, {transform_indices = @transform_8, window_bounds = array<i64: 256, 128>}]} {
    %get3A = arith.constant 0 : index
    %get3A_0 = arith.constant 0 : index
    %get3A_1 = vector.load %arg1[%get3A, %get3A_0] : memref<256x128xf32, #tpu.memory_space<vmem>>, vector<256x128xf32>
    %get3A_2 = arith.constant 0 : index
    %get3A_3 = arith.constant 0 : index
    %get3A_4 = vector.load %arg2[%get3A_2, %get3A_3] : memref<128x128xf32, #tpu.memory_space<vmem>>, vector<128x128xf32>
    %dot_general3A = arith.constant dense<0.000000e+00> : vector<256x128xf32>
    %dot_general3A_5 = tpu.matmul %get3A_1, %get3A_4, %dot_general3A {dimension_numbers = #tpu.dot_dimension_numbers<[1], [0], [0], [1], [0, 0, 1, 1], [], []>, transpose_lhs_hint = false} : vector<256x128xf32>, vector<128x128xf32>, vector<256x128xf32> -> vector<256x128xf32>
    %get3A_6 = arith.constant 0 : index
    %get3A_7 = arith.constant 0 : index
    %get3A_8 = vector.load %arg3[%get3A_6, %get3A_7] : memref<128x1xf32, #tpu.memory_space<vmem>>, vector<128x1xf32>
    %dot_general3A_9 = arith.constant dense<0.000000e+00> : vector<256x1xf32>
    %dot_general3A_10 = tpu.matmul %dot_general3A_5, %get3A_8, %dot_general3A_9 {dimension_numbers = #tpu.dot_dimension_numbers<[1], [0], [0], [1], [0, 0, 1, 1], [], []>, transpose_lhs_hint = false} : vector<256x128xf32>, vector<128x1xf32>, vector<256x1xf32> -> vector<256x1xf32>
    %get3A_11 = arith.constant 0 : index
    %get3A_12 = arith.constant 0 : index
    %get3A_13 = vector.load %arg4[%get3A_11, %get3A_12] : memref<128x1xf32, #tpu.memory_space<vmem>>, vector<128x1xf32>
    %dot_general3A_14 = arith.constant dense<0.000000e+00> : vector<256x1xf32>
    %dot_general3A_15 = tpu.matmul %dot_general3A_5, %get3A_13, %dot_general3A_14 {dimension_numbers = #tpu.dot_dimension_numbers<[1], [0], [0], [1], [0, 0, 1, 1], [], []>, transpose_lhs_hint = false} : vector<256x128xf32>, vector<128x1xf32>, vector<256x1xf32> -> vector<256x1xf32>
    %add3A = arith.addf %dot_general3A_10, %dot_general3A_15 : vector<256x1xf32>
    %ge3A = arith.constant 0.000000e+00 : f32
    %ge3A_16 = vector.broadcast %ge3A : f32 to vector<256x1xf32>
    %ge3A_17 = arith.cmpf oge, %add3A, %ge3A_16 : vector<256x1xf32>
    %mul3A = arith.constant 2.000000e-01 : f32
    %mul3A_18 = vector.broadcast %mul3A : f32 to vector<256x1xf32>
    %mul3A_19 = arith.mulf %mul3A_18, %add3A : vector<256x1xf32>
    %select_n3A = arith.select %ge3A_17, %add3A, %mul3A_19 : vector<256x1xi1>, vector<256x1xf32>
    %exp3A = math.exp %select_n3A : vector<256x1xf32>
    %swap3A = arith.constant 0 : index
    %swap3A_20 = arith.constant 0 : index
    %swap3A_21 = vector.load %arg5[%swap3A, %swap3A_20] : memref<256x128xf32, #tpu.memory_space<vmem>>, vector<256x128xf32>
    tpu.vector_store %arg5[%swap3A, %swap3A_20], %dot_general3A_5 {strides = array<i32>} : memref<256x128xf32, #tpu.memory_space<vmem>>, vector<256x128xf32>,
    %swap3A_22 = arith.constant 0 : index
    %swap3A_23 = arith.constant 0 : index
    %swap3A_24 = vector.load %arg6[%swap3A_22, %swap3A_23] : memref<256x1xf32, #tpu.memory_space<vmem>>, vector<256x1xf32>
    tpu.vector_store %arg6[%swap3A_22, %swap3A_23], %dot_general3A_10 {strides = array<i32>} : memref<256x1xf32, #tpu.memory_space<vmem>>, vector<256x1xf32>,
    %swap3A_25 = arith.constant 0 : index
    %swap3A_26 = arith.constant 0 : index
    %swap3A_27 = vector.load %arg7[%swap3A_25, %swap3A_26] : memref<256x1xf32, #tpu.memory_space<vmem>>, vector<256x1xf32>
    tpu.vector_store %arg7[%swap3A_25, %swap3A_26], %dot_general3A_15 {strides = array<i32>} : memref<256x1xf32, #tpu.memory_space<vmem>>, vector<256x1xf32>,
    %swap3A_28 = arith.constant 0 : index
    %swap3A_29 = arith.constant 0 : index
    %swap3A_30 = vector.load %arg8[%swap3A_28, %swap3A_29] : memref<256x1xf32, #tpu.memory_space<vmem>>, vector<256x1xf32>
    tpu.vector_store %arg8[%swap3A_28, %swap3A_29], %exp3A {strides = array<i32>} : memref<256x1xf32, #tpu.memory_space<vmem>>, vector<256x1xf32>,
    %mul3A_31 = vector.broadcast %exp3A : vector<256x1xf32> to vector<256x128xf32>
    %mul3A_32 = arith.mulf %mul3A_31, %dot_general3A_5 : vector<256x128xf32>
    %swap3A_33 = arith.constant 0 : index
    %swap3A_34 = arith.constant 0 : index
    %swap3A_35 = vector.load %arg9[%swap3A_33, %swap3A_34] : memref<256x128xf32, #tpu.memory_space<vmem>>, vector<256x128xf32>
    tpu.vector_store %arg9[%swap3A_33, %swap3A_34], %mul3A_32 {strides = array<i32>} : memref<256x128xf32, #tpu.memory_space<vmem>>, vector<256x128xf32>,
    return
  }
  func.func @transform_0(%arg0: i32) -> (i32, i32) {
    %c0_i32 = arith.constant 0 : i32
    %c0_i32_0 = arith.constant 0 : i32
    return %arg0, %c0_i32 : i32, i32
  }
  func.func @transform_1(%arg0: i32) -> (i32, i32) {
    %c0_i32 = arith.constant 0 : i32
    %c0_i32_0 = arith.constant 0 : i32
    %c0_i32_1 = arith.constant 0 : i32
    return %c0_i32, %c0_i32_0 : i32, i32
  }
  func.func @transform_2(%arg0: i32) -> (i32, i32) {
    %c0_i32 = arith.constant 0 : i32
    %c0_i32_0 = arith.constant 0 : i32
    %c0_i32_1 = arith.constant 0 : i32
    return %c0_i32, %c0_i32_0 : i32, i32
  }
  func.func @transform_3(%arg0: i32) -> (i32, i32) {
    %c0_i32 = arith.constant 0 : i32
    %c0_i32_0 = arith.constant 0 : i32
    %c0_i32_1 = arith.constant 0 : i32
    return %c0_i32, %c0_i32_0 : i32, i32
  }
  func.func @transform_4(%arg0: i32) -> (i32, i32) {
    %c0_i32 = arith.constant 0 : i32
    %c0_i32_0 = arith.constant 0 : i32
    return %arg0, %c0_i32 : i32, i32
  }
  func.func @transform_5(%arg0: i32) -> (i32, i32) {
    %c0_i32 = arith.constant 0 : i32
    %c0_i32_0 = arith.constant 0 : i32
    return %arg0, %c0_i32 : i32, i32
  }
  func.func @transform_6(%arg0: i32) -> (i32, i32) {
    %c0_i32 = arith.constant 0 : i32
    %c0_i32_0 = arith.constant 0 : i32
    return %arg0, %c0_i32 : i32, i32
  }
  func.func @transform_7(%arg0: i32) -> (i32, i32) {
    %c0_i32 = arith.constant 0 : i32
    %c0_i32_0 = arith.constant 0 : i32
    return %arg0, %c0_i32 : i32, i32
  }
  func.func @transform_8(%arg0: i32) -> (i32, i32) {
    %c0_i32 = arith.constant 0 : i32
    %c0_i32_0 = arith.constant 0 : i32
    return %arg0, %c0_i32 : i32, i32
  }
}

module attributes {stable_mosaic.version = 14 : i64} {
  func.func @_post_body(%arg0: i32, %arg1: memref<256x128xf32, #tpu.memory_space<vmem>>, %arg2: memref<256x128xf32, #tpu.memory_space<vmem>>, %arg3: memref<256x1xf32, #tpu.memory_space<vmem>>, %arg4: memref<256x1xf32, #tpu.memory_space<vmem>>, %arg5: memref<1x128xf32, #tpu.memory_space<vmem>>, %arg6: memref<256x128xf32, #tpu.memory_space<vmem>>) attributes {dimension_semantics = [#tpu.dimension_semantics<arbitrary>], iteration_bounds = array<i64: 40>, scalar_prefetch = 0 : i64, scratch_operands = 0 : i64, tpu.core_type = #tpu.core_type<tc>, window_params = [{transform_indices = @transform_0, window_bounds = array<i64: 256, 128>}, {transform_indices = @transform_1, window_bounds = array<i64: 256, 128>}, {transform_indices = @transform_2, window_bounds = array<i64: 256, 1>}, {transform_indices = @transform_3, window_bounds = array<i64: 256, 1>}, {pipeline_mode = #tpu.pipeline_mode<synchronous>, transform_indices = @transform_4, window_bounds = array<i64: 1, 128>}, {transform_indices = @transform_5, window_bounds = array<i64: 256, 128>}]} {
    %get3A = arith.constant 0 : index
    %get3A_0 = arith.constant 0 : index
    %get3A_1 = vector.load %arg3[%get3A, %get3A_0] : memref<256x1xf32, #tpu.memory_space<vmem>>, vector<256x1xf32>
    %get3A_2 = arith.constant 0 : index
    %get3A_3 = arith.constant 0 : index
    %get3A_4 = vector.load %arg4[%get3A_2, %get3A_3] : memref<256x1xf32, #tpu.memory_space<vmem>>, vector<256x1xf32>
    %add3A = arith.addf %get3A_1, %get3A_4 : vector<256x1xf32>
    %add3A_5 = arith.constant 1.000000e-16 : f32
    %add3A_6 = vector.broadcast %add3A_5 : f32 to vector<256x1xf32>
    %add3A_7 = arith.addf %add3A, %add3A_6 : vector<256x1xf32>
    %get3A_8 = arith.constant 0 : index
    %get3A_9 = arith.constant 0 : index
    %get3A_10 = vector.load %arg1[%get3A_8, %get3A_9] : memref<256x128xf32, #tpu.memory_space<vmem>>, vector<256x128xf32>
    %get3A_11 = arith.constant 0 : index
    %get3A_12 = arith.constant 0 : index
    %get3A_13 = vector.load %arg2[%get3A_11, %get3A_12] : memref<256x128xf32, #tpu.memory_space<vmem>>, vector<256x128xf32>
    %add3A_14 = arith.addf %get3A_10, %get3A_13 : vector<256x128xf32>
    %div3A = vector.broadcast %add3A_7 : vector<256x1xf32> to vector<256x128xf32>
    %div3A_15 = arith.divf %add3A_14, %div3A : vector<256x128xf32>
    %get3A_16 = arith.constant 0 : index
    %get3A_17 = arith.constant 0 : index
    %get3A_18 = vector.load %arg5[%get3A_16, %get3A_17] : memref<1x128xf32, #tpu.memory_space<vmem>>, vector<1x128xf32>
    %add3A_19 = vector.broadcast %get3A_18 : vector<1x128xf32> to vector<256x128xf32>
    %add3A_20 = arith.addf %div3A_15, %add3A_19 : vector<256x128xf32>
    %swap3A = arith.constant 0 : index
    %swap3A_21 = arith.constant 0 : index
    %swap3A_22 = vector.load %arg6[%swap3A, %swap3A_21] : memref<256x128xf32, #tpu.memory_space<vmem>>, vector<256x128xf32>
    tpu.vector_store %arg6[%swap3A, %swap3A_21], %add3A_20 {strides = array<i32>} : memref<256x128xf32, #tpu.memory_space<vmem>>, vector<256x128xf32>,
    return
  }
  func.func @transform_0(%arg0: i32) -> (i32, i32) {
    %c0_i32 = arith.constant 0 : i32
    %c0_i32_0 = arith.constant 0 : i32
    return %arg0, %c0_i32 : i32, i32
  }
  func.func @transform_1(%arg0: i32) -> (i32, i32) {
    %c0_i32 = arith.constant 0 : i32
    %c0_i32_0 = arith.constant 0 : i32
    return %arg0, %c0_i32 : i32, i32
  }
  func.func @transform_2(%arg0: i32) -> (i32, i32) {
    %c0_i32 = arith.constant 0 : i32
    %c0_i32_0 = arith.constant 0 : i32
    return %arg0, %c0_i32 : i32, i32
  }
  func.func @transform_3(%arg0: i32) -> (i32, i32) {
    %c0_i32 = arith.constant 0 : i32
    %c0_i32_0 = arith.constant 0 : i32
    return %arg0, %c0_i32 : i32, i32
  }
  func.func @transform_4(%arg0: i32) -> (i32, i32) {
    %c0_i32 = arith.constant 0 : i32
    %c0_i32_0 = arith.constant 0 : i32
    %c0_i32_1 = arith.constant 0 : i32
    return %c0_i32, %c0_i32_0 : i32, i32
  }
  func.func @transform_5(%arg0: i32) -> (i32, i32) {
    %c0_i32 = arith.constant 0 : i32
    %c0_i32_0 = arith.constant 0 : i32
    return %arg0, %c0_i32 : i32, i32
  }
}

</mosaic_0001>

<sc_bundles>
// kernel: kernel.5.cloned.1.call-start
scs
__scs_entry_jumppad:
0x0: {  	(pc) =	sbr.rel $0x88, $3  }
0x1: {  	(tag) =	ssettag $0x0;
	lr =	simm.s32 $0x1  }
0x2: {  	[smem:$0x3F9B] =	sst lr;
	_ =	strace $0xD0000000  }
0x3: {  	_ = 	snop  }
0x4: {  	_ = 	snop  }
0x5: {  	_ = 	snop  }
0x6: {  	_ = 	snop  }
0x7: {  	_ = 	snop  }
__scs_overlays_trampoline_lowered:
0x8: {  	[smem:$0x3FAA] =	sst s0  }
0x9: {  	[smem:$0x3FAB] =	sst s1  }
0xa: {  	[smem:$0x3FAC] =	sst s2  }
0xb: {  	[smem:$0x3FAD] =	sst s3  }
0xc: {  	[smem:$0x3FAE] =	sst s4  }
0xd: {  	[smem:$0x3FAF] =	sst s5  }
0xe: {  	[smem:$0x3FB0] =	sst s6  }
0xf: {  	[smem:$0x3FB1] =	sst s7  }
0x10: {  	[smem:$0x3FB2] =	sst s8  }
0x11: {  	[smem:$0x3FB3] =	sst s9;
	s0 =	simm.s32 @!p0 $0x0  }
0x12: {  	s1 =	sld [smem:$0x3F99];
	s0 =	simm.s32 @p0 $0x1  }
0x13: {  	[smem:$0x3FB4] =	sst s0;
	s0 =	simm.s32 @!p1 $0x0  }
0x14: {  	s2 =	sld [smem:$0x3F98];
	s0 =	simm.s32 @p1 $0x1  }
0x15: {  	[smem:$0x3FB5] =	sst s0;
	s0 =	simm.s32 @!p2 $0x0  }
0x16: {  	s3 =	sld [smem:$0x3FDB];
	s0 =	simm.s32 @p2 $0x1  }
0x17: {  	s4 =	simm.s32 $0x1BF5;
	[smem:$0x3FB7] =	sst s0  }
0x18: {  	s0 =	sld [smem:$0x3F9A];
	_ =	swait.ge [sflag:s4], $0x0  }
0x19: {  	s7 =	sld [smem:$0x3F9B]  }
0x1a: {  	s8 =	sadd.s32 $0xFFFFE003, lr  }
0x1b: {  	s9 =	sadd.s32 $0xFFFFFEF7, lr;
	s5 =	simm.s32 $0xFFFFFFFF;
	p2 =	slt.u32 s8, $0xFFFFF086  }
0x1c: {  	p1 =	slt.u32 s9, $0xF7A;
	s5 =	simm.s32 @!p2 $0x0  }
0x1d: {  	s5 =	simm.s32 @p1 $0x1;
	p0 =	seq.s32 s7, s2  }
0x1e: {  	s7 =	smul.u32 @!p0 $0xF7A, s2;
	p2 =	seq.s32 @!p0 s5, $0x0  }
0x1f: {  	s9 =	smul.u32 $0xF7A, s1;
	s8 =	simm.s32 @!p0 $0x1BF5;
	p2 =	por !p2, p0  }
0x20: {  	[sflag:s8] =	ssyncset.s32 @!p0 $0xFFFFF086;
	s6 =	sadd.s32 @!p0 s3, s7;
	s7 =	simm.s32 @!p0 $0x108  }
0x21: {  	s3 =	sadd.s32 s3, s9;
	s6 =	sadd.s32 @!p0 $0x88, s6;
	s7 =	simm.s32 @p2 $0x1082  }
0x22: {  	[simem:s7], [sflag:s8] =	dma.local @!p0 [hbm:s6], $0xF7A  }
0x23: {  	s9 =	sor.u32 $0xD0000000, s2;
	s6 =	simm.s32 $0x108;
	_ =	swait.ge @!p0 [sflag:s8], $0x0  }
0x24: {  	s3 =	sadd.s32 $0x88, s3;
	s6 =	simm.s32 @!p1 $0x1082;
	[sflag:s4] =	ssyncset.s32 $0xFFFFF086  }
0x25: {  	[simem:s6], [sflag:s4] =	dma.local [hbm:s3], $0xF7A  }
0x26: {  	[smem:$0x3F9B] =	sst s1;
	(tag) =	ssettag s2;
	_ =	strace s9  }
0x27: {  	s1 =	sld [smem:$0x3FAB]  }
0x28: {  	s2 =	sld [smem:$0x3FAC]  }
0x29: {  	s4 =	sld [smem:$0x3FAE]  }
0x2a: {  	p0 =	seq.s32 s5, $0x0;
	s5 =	sld [smem:$0x3FAF]  }
0x2b: {  	s6 =	sld [smem:$0x3FB0]  }
0x2c: {  	s7 =	sld [smem:$0x3FB1]  }
0x2d: {  	s3 =	simm.s32 $0x108;
	s8 =	sld [smem:$0x3FB2]  }
0x2e: {  	s3 =	simm.s32 @!p0 $0x1082;
	s9 =	sld [smem:$0x3FB3]  }
0x2f: {  	lr =	sadd.s32 s0, s3;
	s0 =	sld [smem:$0x3FAA]  }
0x30: {  	s3 =	sld [smem:$0x3FAD]  }
0x31: {  	[smem:$0x3FB6] =	sst s10  }
0x32: {  	s10 =	sld [smem:$0x3FB4];
	_ =	sdelay $0x3  }
0x33: {  	p0 =	seq.s32 s10, $0x1;
	s10 =	sld [smem:$0x3FB6];
	_ =	sdelay $0x3  }
0x34: {  	[smem:$0x3FB6] =	sst s10  }
0x35: {  	s10 =	sld [smem:$0x3FB5];
	_ =	sdelay $0x3  }
0x36: {  	p1 =	seq.s32 s10, $0x1;
	s10 =	sld [smem:$0x3FB6];
	_ =	sdelay $0x3  }
0x37: {  	[smem:$0x3FB6] =	sst s10  }
0x38: {  	s10 =	sld [smem:$0x3FB7]  }
0x39: {  	_ = 	snop;
	(pc) =	sbr.ind lr, $3  }
0x3a: {  	_ = 	snop  }
0x3b: {  	_ = 	snop  }
0x3c: {  	p2 =	seq.s32 s10, $0x1;
	s10 =	sld [smem:$0x3FB6]  }
0x3d: {  	_ =	shalt  }
0x3e: {  	_ =	shalt  }
0x3f: {  	_ =	shalt  }
0x40: {  	_ =	shalt  }
0x41: {  	_ =	shalt  }
0x42: {  	_ =	shalt  }
0x43: {  	_ =	shalt  }
0x44: {  	_ =	shalt  }
0x45: {  	_ =	shalt  }
0x46: {  	_ =	shalt  }
0x47: {  	_ =	shalt  }
0x48: {  	_ =	shalt  }
0x49: {  	_ =	shalt  }
0x4a: {  	_ =	shalt  }
0x4b: {  	_ =	shalt  }
0x4c: {  	_ =	shalt  }
0x4d: {  	_ =	shalt  }
0x4e: {  	_ =	shalt  }
0x4f: {  	_ =	shalt  }
0x50: {  	_ =	shalt  }
0x51: {  	_ =	shalt  }
0x52: {  	_ =	shalt  }
0x53: {  	_ =	shalt  }
0x54: {  	_ =	shalt  }
0x55: {  	_ =	shalt  }
0x56: {  	_ =	shalt  }
0x57: {  	_ =	shalt  }
0x58: {  	_ =	shalt  }
0x59: {  	_ =	shalt  }
0x5a: {  	_ =	shalt  }
0x5b: {  	_ =	shalt  }
0x5c: {  	_ =	shalt  }
0x5d: {  	_ =	shalt  }
0x5e: {  	_ =	shalt  }
0x5f: {  	_ =	shalt  }
0x60: {  	_ =	shalt  }
0x61: {  	_ =	shalt  }
0x62: {  	_ =	shalt  }
0x63: {  	_ =	shalt  }
0x64: {  	_ =	shalt  }
0x65: {  	_ =	shalt  }
0x66: {  	_ =	shalt  }
0x67: {  	_ =	shalt  }
0x68: {  	_ =	shalt  }
0x69: {  	_ =	shalt  }
0x6a: {  	_ =	shalt  }
0x6b: {  	_ =	shalt  }
0x6c: {  	_ =	shalt  }
0x6d: {  	_ =	shalt  }
0x6e: {  	_ =	shalt  }
0x6f: {  	_ =	shalt  }
0x70: {  	_ =	shalt  }
0x71: {  	_ =	shalt  }
0x72: {  	_ =	shalt  }
0x73: {  	_ =	shalt  }
0x74: {  	_ =	shalt  }
0x75: {  	_ =	shalt  }
0x76: {  	_ =	shalt  }
0x77: {  	_ =	shalt  }
0x78: {  	_ =	shalt  }
0x79: {  	_ =	shalt  }
0x7a: {  	_ =	shalt  }
0x7b: {  	_ =	shalt  }
0x7c: {  	_ =	shalt  }
0x7d: {  	_ =	shalt  }
0x7e: {  	_ =	shalt  }
0x7f: {  	_ =	shalt  }
0x80: {  	_ =	shalt  }
0x81: {  	_ =	shalt  }
0x82: {  	_ =	shalt  }
0x83: {  	_ =	shalt  }
0x84: {  	_ =	shalt  }
0x85: {  	_ =	shalt  }
0x86: {  	_ =	shalt  }
0x87: {  	_ =	shalt  }
.Lfunc_end0:
.L_simem_size_0:
called_computation_lowered:
.L_overlay_start_0:
0x88: {  	s2 =	sld [smem:$0x3FD9]  }
0x89: {  	s3 =	sld [smem:$0x3FFE];
	_ =	sdelay $0x1  }
0x8a: {  	s1 =	srdreg.scid  }
0x8b: {  	s0 =	sand.u32 $0x1, s1  }
0x8c: {  	s17 =	sshll.u32 s0, $0xA;
	s2 =	sadd.s32 s3, s2  }
0x8d: {  	s2 =	sadd.s32 s2, s17  }
0x8e: {  	[smem:$0x3FC2] =	sst s2  }
0x8f: {  	_ = 	snop  }
0x90: {  	s2 =	sld [smem:$0x3FD0];
	(tm) =	ssettm $0x1  }
0x91: {  	s18 =	sld [smem:$0x3FFB];
	_ =	sdelay $0x3  }
0x92: {  	_ =	strace s18  }
0x93: {  	s3 =	sld [smem:$0x3FFC];
	_ =	sdelay $0x3  }
0x94: {  	_ =	strace s3  }
0x95: {  	s3 =	sld [smem:$0x3FFD];
	_ =	sdelay $0x3  }
0x96: {  	_ =	strace s3  }
0x97: {  	_ =	strace $0x8FFFFFFF  }
0x98: {  	s19 =	sld [smem:$0x3FDB];
	_ =	sdelay $0x1  }
0x99: {  	s4 =	simm.s32 $_scs_section_size  }
0x9a: {  	s5 =	simm.s32 $_size__tile_overlayer_lowered;
	s6 =	simm.s32 $_tile_overlayer_lowered  }
0x9b: {  	s22 =	simm.s32 $0x1BFF;
	s21 =	sshll.u32 s6, $0x1;
	s3 =	sadd.s32 s4, s19  }
0x9c: {  	s7 =	simm.s32 $0x0;
	s20 =	sshll.u32 s5, $0x1;
	s5 =	sadd.s32 s21, s3  }
0x9d: {  	[timem:s7], [sflag:s22] =	dma.local [hbm:s5], s20  }
0x9e: {  	_ =	swait.ge [sflag:s22], s20  }
0x9f: {  	s4 =	ssub.s32 $0x0, s20;
	[sflag:s22] =	ssyncset.done $0x0  }
0xa0: {  	[sflag:s22] =	ssyncadd.s32 s4;
	_ =	sdelay $0x1  }
0xa1: {  	s23 =	simm.s32 $0x1B8B  }
0xa2: {  	_ =	swait.ge [sflag:s23], $0x1  }
0xa3: {  	[sflag:s23] =	ssyncset.done $0x0  }
0xa4: {  	s25 =	simm.s32 $0x1B8E;
	s24 =	sld [smem:$0x3FFE];
	[sflag:s23] =	ssyncadd.s32 $0xFFFFFFFF  }
0xa5: {  	s26 =	simm.s32 $execute0_lowered;
	[smem:$0x3FD2] =	sst s25  }
0xa6: {  	s5 =	sshll.u32 s26, $0x1;
	_ =	strace $0x80000046;
	[dreg:$0x1] =	wrdreg $0xFFFFFFFF  }
0xa7: {  	s28 =	simm.s32 $_size_execute0_lowered;
	s3 =	sadd.s32 s3, s5;
	[dreg:$0x0] =	wrdreg $0x0  }
0xa8: {  	s5 =	sshll.u32 s28, $0x1;
	[dreg:$0x2] =	wrdreg s3  }
0xa9: {  	[dreg:$0x3] =	wrdreg s5  }
0xaa: {  	[dreg:$0x4] =	wrdreg $0xC0  }
0xab: {  	_ =	task [dreg:s7], $0x5FFFF  }
0xac: {  	[dreg:$0x1] =	wrdreg $0xFFFFFFFF  }
0xad: {  	[dreg:$0x0] =	wrdreg $0x60  }
0xae: {  	[dreg:$0x2] =	wrdreg s2  }
0xaf: {  	[dreg:$0x3] =	wrdreg s24  }
0xb0: {  	[dreg:$0x4] =	wrdreg $0x92800  }
0xb1: {  	[dreg:$0x5] =	wrdreg $0x1D2800  }
0xb2: {  	[dreg:$0x6] =	wrdreg $0x9  }
0xb3: {  	_ =	task.clear_ibuf [dreg:s7], $0x7FFFF;
	_ =	strace $0x90000046  }
0xb4: {  	s29 =	simm.s32 $0x9;
	_ =	strace $0x80000048  }
0xb5: {  	_ =	swait.ge [sflag:s29], $0x1  }
0xb6: {  	[sflag:s29] =	ssyncadd.s32 $0xFFFFFFFF  }
0xb7: {  	_ =	strace $0x90000048  }
0xb8: {  	_ =	sfence  }
0xb9: {  	s30 =	sld [smem:$0x0];
	_ =	sdelay $0x2  }
0xba: {  	s31 =	sshll.u32 s1, $0xD;
	s1 =	sshrl.u32 s1, $0x2  }
0xbb: {  	s3 =	sand.u32 $0x4000, s31;
	s1 =	sadd.s32 s1, s30  }
0xbc: {  	s0 =	sor.u32 s3, s0;
	s1 =	sshll.u32 s1, $0x11  }
0xbd: {  	s0 =	sor.u32 s1, s0  }
0xbe: {  	s0 =	sadd.s32 $0x8F2B, s0  }
0xbf: {  	[sflag:s0] =	ssyncadd.remote.s32 $0x1  }
0xc0: {  	_ =	sfence.sel $0xFFFF  }
0xc1: {  	[dreg:$0x0] =	wrdreg $0xFFFFFFFF;
	(pc) =	sbr.abs _section_cstart, $3  }
0xc2: {  	[dreg:$0x1] =	wrdreg $0xFFFFFFFF  }
0xc3: {  	_ =	task.clear_ibuf [dreg:s7], $0x2FFFF;
	_ =	strace $0x9FFFFFFF  }
0xc4: {  	(tm) =	ssettm $0x7FFFFFFF  }
0xc5: {  	_ =	shalt  }
tec
execute0_lowered:
.L_overlay_start_1:
0x0: {  	(tag) =	ssettag $0x1  }
0x1: {  	s1 =	rddreg [dreg:$0x0]  }
0x2: {  	s2 =	rddreg [dreg:$0x1]  }
0x3: {  	s3 =	rddreg [dreg:$0x2]  }
0x4: {  	s4 =	rddreg [dreg:$0x3];
	s5 =	simm.s32 $0x0;
	s0 =	srdreg.scid  }
0x5: {  	s20 =	stileid.u32;
	s28 =	simm.s32 $0x5180;
	s29 =	simm.s32 $0x80  }
0x6: {  	s30 =	simm.s32 $0x5280;
	s31 =	simm.s32 $0x2;
	[smem:$0x7FF] =	sst s5  }
0x7: {  	s0 =	sand.u32 $0x1, s0;
	s7 =	sadd.s32 $0x51200, s2;
	s19 =	smul.u32 $0x14000, s20  }
0x8: {  	s8 =	sadd.s32 $0x50000, s2;
	s9 =	sadd.s32 $0x50600, s2;
	s10 =	smul.u32 $0x500, s20  }
0x9: {  	s11 =	sadd.s32 $0x5B200, s2;
	s12 =	sadd.s32 $0x50C00, s2;
	s13 =	smul.u32 $0x280, s20  }
0xa: {  	s14 =	sadd.s32 $0x83200, s2;
	s16 =	sshll.u32 s20, $0x1;
	s17 =	smul.u32 $0x50000, s20  }
0xb: {  	_ =	strace $0x80000047;
	s6 =	smul.u32 $0x140000, s0;
	[dreg:$0x5] =	wrdreg s8  }
0xc: {  	[dreg:$0x6] =	wrdreg s9;
	s9 =	sadd.s32 $0x28000, s2;
	s21 =	sshll.u32 s0, $0x7  }
0xd: {  	s22 =	ssub.s32 $0x2, s0;
	s23 =	sor.u32 s0, s16;
	s16 =	smul.u32 $0x2800, s20  }
0xe: {  	p0 =	seq.s32 s0, $0x0;
	s8 =	sor.u32 s21, s10;
	s15 =	sshrl.u32 s22, $0x1  }
0xf: {  	s24 =	sshrl.u32 s17, $0x2;
	s25 =	smul.u32 $0x500, s23;
	s18 =	sadd.s32 s13, s4  }
0x10: {  	s10 =	smul.u32 $0x50, s23;
	s11 =	smov.u32 @p0 s9;
	s14 =	smov.u32 @p0 s12  }
0x11: {  	s9 =	simm.s32 $0x0;
	s6 =	sadd.s32 s19, s6;
	s8 =	sshrl.u32 s8, $0x3  }
0x12: {  	s15 =	ssub.s32 s22, s15;
	s0 =	sadd.s32 s24, s3;
	s19 =	sshrl.u32 s13, $0x3  }
0x13: {  	s24 =	sadd.s32 s11, s16;
	s6 =	sshrl.u32 s6, $0x3;
	s8 =	sadd.s32 s8, s2  }
0x14: {  	s26 =	sadd.s32 s1, s25;
	s21 =	sadd.s32 s7, s25;
	[dreg:$0xc] =	wrdreg s24  }
0x15: {  	s13 =	sor.u32 $0x2, s10;
	s23 =	smax.u32 s15, $0x1;
	[dreg:$0x7] =	wrdreg s26  }
0x16: {  	s25 =	sadd.s32 s14, s19;
	s24 =	simm.s32 $0x5000;
	[dreg:$0x8] =	wrdreg s21  }
0x17: {  	s6 =	sadd.s32 s6, s2;
	s22 =	sadd.s32 $0xD3800, s8;
	[dreg:$0xb] =	wrdreg s23  }
0x18: {  	[dreg:$0xd] =	wrdreg s25;
	s26 =	sshll.u32 s20, $0x6;
	s20 =	sshrl.u32 s0, $0x3  }
0x19: {  	s21 =	simm.s32 $0x4;
	s23 =	simm.s32 $0x2800;
	s25 =	simm.s32 $0x5080  }
0x1a: {  	s0 =	simm.s32 $0x5200;
	s8 =	simm.s32 $0x3;
	s6 =	sadd.s32 $0x83800, s6  }
0x1b: {  	[dreg:$0xa] =	wrdreg s22;
	s19 =	sor.u32 $0x1C04, s26;
	s22 =	sshrl.u32 s18, $0x3  }
0x1c: {  	s26 =	simm.s32 $0x5100;
	[dreg:$0x9] =	wrdreg s6;
	s6 =	simm.s32 $0x1  }
.LBB2_1:
0x1d: {  	s11 =	rddreg [dreg:$0xc]  }
0x1e: {  	[spmem:s20], [sflag:s19] =	dma.local [hbm:s11], $0x2800  }
0x1f: {  	_ =	swait.ge [sflag:s21], $0x2800  }
0x20: {  	[sflag:s21] =	ssyncset.done $0x0  }
0x21: {  	s14 =	rddreg [dreg:$0xd];
	[sflag:s21] =	ssyncadd.s32 $0xFFFFD800  }
0x22: {  	[spmem:s22], [sflag:s19] =	dma.local [hbm:s14], $0x50  }
0x23: {  	_ =	swait.ge [sflag:s21], $0x50  }
0x24: {  	[sflag:s21] =	ssyncset.done $0x0  }
0x25: {  	s15 =	rddreg [dreg:$0x5];
	[sflag:s21] =	ssyncadd.s32 $0xFFFFFFB0  }
0x26: {  	[tilespmem:s5], [sflag:$0x4] =	stream.linear.gather [hbm4b:s15+s5], $0x2800, $0x38;
	[tilespmem:$0x1D500] =	vst v63  }
0x27: {  	_ =	swait.ge [sflag:s21], $0x2800  }
0x28: {  	[sflag:s21] =	ssyncset.done $0x0  }
0x29: {  	s16 =	rddreg [dreg:$0x6];
	[sflag:s21] =	ssyncadd.s32 $0xFFFFD800  }
0x2a: {  	[tilespmem:s23], [sflag:$0x4] =	stream.linear.gather [hbm4b:s16+s5], $0x2800, $0x38;
	[tilespmem:$0x1D500] =	vst v63  }
0x2b: {  	_ =	swait.ge [sflag:s21], $0x2800  }
0x2c: {  	[sflag:s21] =	ssyncset.done $0x0  }
0x2d: {  	[sflag:s21] =	ssyncadd.s32 $0xFFFFD800  }
0x2e: {  	[bflag:$0x0] =	sbarrier.arrive $0xFFFF  }
0x2f: {  	s17 =	rddreg [dreg:$0x7]  }
0x30: {  	[tilespmem:s24], [sflag:$0x4] =	stream.linear.gather [hbm4b:s17+s5], $0x80, $0x38;
	[tilespmem:$0x1D500] =	vst v63  }
0x31: {  	_ =	swait.ge [sflag:s21], $0x80  }
0x32: {  	[sflag:s21] =	ssyncset.done $0x0  }
0x33: {  	s18 =	rddreg [dreg:$0x8];
	[sflag:s21] =	ssyncadd.s32 $0xFFFFFF80  }
0x34: {  	[tilespmem:s25], [sflag:$0x4] =	stream.linear.gather [hbm4b:s18+s5], $0x80, $0x38;
	[tilespmem:$0x1D500] =	vst v63  }
0x35: {  	_ =	swait.ge [sflag:s21], $0x80  }
0x36: {  	[sflag:s21] =	ssyncset.done $0x0  }
0x37: {  	s11 =	simm.s32 $0x0;
	[sflag:s21] =	ssyncadd.s32 $0xFFFFFF80  }
.LBB2_2:
0x38: {  	p0 =	seq.s32 s11, $0x0  }
0x39: {  	s15 =	simm.s32 @!p0 $0x3  }
0x3a: {  	s12 =	sshll.u32 s11, $0x1;
	_ =	swait.ge @!p0 [sflag:s15], $0x4000  }
0x3b: {  	s14 =	sor.u32 $0x1, s12;
	[sflag:s15] =	ssyncset.done @!p0 $0x0  }
0x3c: {  	s16 =	sadd.s32 s10, s14;
	[sflag:s15] =	ssyncadd.s32 @!p0 $0xFFFFC000  }
0x3d: {  	s16 =	sshll.u32 s16, $0x4;
	_ =	swait.ge @!p0 [sflag:s15], $0x80  }
0x3e: {  	s16 =	sand.u32 $0x1FFFFFF0, s16;
	[sflag:s15] =	ssyncset.done @!p0 $0x0  }
0x3f: {  	s18 =	simm.s32 $0x0;
	s17 =	sadd.s32 s1, s16;
	[sflag:s15] =	ssyncadd.s32 @!p0 $0xFFFFFF80  }
0x40: {  	[tilespmem:s26], [sflag:$0x1] =	stream.linear.gather [hbm4b:s17+s18], $0x80, $0x38;
	[tilespmem:$0x1D500] =	vst v63  }
0x41: {  	s16 =	sadd.s32 s7, s16  }
0x42: {  	[tilespmem:s28], [sflag:$0x1] =	stream.linear.gather [hbm4b:s16+s18], $0x80, $0x38;
	[tilespmem:$0x1D500] =	vst v63  }
0x43: {  	_ = 	snop  }
0x44: {  	[tilespmem:s30], [sflag:$0x2] =	stream.indirect.gather [hbm4b:s2+s29], $0x80, s24, s29, $0xb8;
	[tilespmem:$0x1D500] =	vst v63  }
0x45: {  	v0 =	vld [tilespmem:$0x5000]  }
0x46: {  	v1 =	vld [tilespmem:$0x5080];
	_ =	sdelay $0x6  }
0x47: {  	v0 =	vld.idx.msk [tilespmem:v0+s18+$0x0], $0xffff  }
0x48: {  	v1 =	vld.idx.msk [tilespmem:v1+s23+$0x0], $0xffff;
	_ =	sdelay $0x4  }
0x49: {  	v0 =	vadd.f32 v1, v0;
	_ =	sdelay $0x1  }
0x4a: {  	v1 =	vmul.f32 $2.000000030e-01, v0  }
0x4b: {  	vm0 =	vge.f32 v0, $0.0e+00  }
0x4c: {  	v0 =	vsel vm0, v0, v1  }
0x4d: {  	v0 =	vmul.f32 $1.442695020e+00, v0;
	_ =	sdelay $0x1  }
0x4e: {  	(erf) = vpow2.f32 v0;
	_ =	sdelay $0x2  }
0x4f: {  	v0 =	vld [tilespmem:$0x5010]  }
0x50: {  	v1 =	vld [tilespmem:$0x5090];
	_ =	sdelay $0x4  }
0x51: {  	v2 =	vpop (erf)  }
0x52: {  	[tilespmem:$0x5200] =	vst v2  }
0x53: {  	v0 =	vld.idx.msk [tilespmem:v0+s18+$0x0], $0xffff  }
0x54: {  	v1 =	vld.idx.msk [tilespmem:v1+s23+$0x0], $0xffff;
	_ =	sdelay $0x4  }
0x55: {  	v0 =	vadd.f32 v1, v0;
	_ =	sdelay $0x1  }
0x56: {  	v1 =	vmul.f32 $2.000000030e-01, v0  }
0x57: {  	vm9 =	vge.f32 v0, $0.0e+00  }
0x58: {  	v0 =	vsel vm9, v0, v1  }
0x59: {  	v0 =	vmul.f32 $1.442695020e+00, v0;
	_ =	sdelay $0x1  }
0x5a: {  	(erf) = vpow2.f32 v0;
	_ =	sdelay $0x2  }
0x5b: {  	v0 =	vld [tilespmem:$0x5020]  }
0x5c: {  	v1 =	vld [tilespmem:$0x50A0];
	_ =	sdelay $0x4  }
0x5d: {  	v2 =	vpop (erf)  }
0x5e: {  	[tilespmem:$0x5210] =	vst v2  }
0x5f: {  	v0 =	vld.idx.msk [tilespmem:v0+s18+$0x0], $0xffff  }
0x60: {  	v1 =	vld.idx.msk [tilespmem:v1+s23+$0x0], $0xffff;
	_ =	sdelay $0x4  }
0x61: {  	v0 =	vadd.f32 v1, v0;
	_ =	sdelay $0x1  }
0x62: {  	v1 =	vmul.f32 $2.000000030e-01, v0  }
0x63: {  	vm10 =	vge.f32 v0, $0.0e+00  }
0x64: {  	v0 =	vsel vm10, v0, v1  }
0x65: {  	v0 =	vmul.f32 $1.442695020e+00, v0;
	_ =	sdelay $0x1  }
0x66: {  	(erf) = vpow2.f32 v0;
	_ =	sdelay $0x2  }
0x67: {  	v0 =	vld [tilespmem:$0x5030]  }
0x68: {  	v1 =	vld [tilespmem:$0x50B0];
	_ =	sdelay $0x4  }
0x69: {  	v2 =	vpop (erf)  }
0x6a: {  	[tilespmem:$0x5220] =	vst v2  }
0x6b: {  	v0 =	vld.idx.msk [tilespmem:v0+s18+$0x0], $0xffff  }
0x6c: {  	v1 =	vld.idx.msk [tilespmem:v1+s23+$0x0], $0xffff;
	_ =	sdelay $0x4  }
0x6d: {  	v0 =	vadd.f32 v1, v0;
	_ =	sdelay $0x1  }
0x6e: {  	v1 =	vmul.f32 $2.000000030e-01, v0  }
0x6f: {  	vm11 =	vge.f32 v0, $0.0e+00  }
0x70: {  	v0 =	vsel vm11, v0, v1  }
0x71: {  	v0 =	vmul.f32 $1.442695020e+00, v0;
	_ =	sdelay $0x1  }
0x72: {  	(erf) = vpow2.f32 v0;
	_ =	sdelay $0x2  }
0x73: {  	v0 =	vld [tilespmem:$0x5040]  }
0x74: {  	v1 =	vld [tilespmem:$0x50C0];
	_ =	sdelay $0x4  }
0x75: {  	v2 =	vpop (erf)  }
0x76: {  	[tilespmem:$0x5230] =	vst v2  }
0x77: {  	v0 =	vld.idx.msk [tilespmem:v0+s18+$0x0], $0xffff  }
0x78: {  	v1 =	vld.idx.msk [tilespmem:v1+s23+$0x0], $0xffff;
	_ =	sdelay $0x4  }
0x79: {  	v0 =	vadd.f32 v1, v0;
	_ =	sdelay $0x1  }
0x7a: {  	v1 =	vmul.f32 $2.000000030e-01, v0  }
0x7b: {  	vm12 =	vge.f32 v0, $0.0e+00  }
0x7c: {  	v0 =	vsel vm12, v0, v1  }
0x7d: {  	v0 =	vmul.f32 $1.442695020e+00, v0;
	_ =	sdelay $0x1  }
0x7e: {  	(erf) = vpow2.f32 v0;
	_ =	sdelay $0x2  }
0x7f: {  	v0 =	vld [tilespmem:$0x5050]  }
0x80: {  	v1 =	vld [tilespmem:$0x50D0];
	_ =	sdelay $0x4  }
0x81: {  	v2 =	vpop (erf)  }
0x82: {  	[tilespmem:$0x5240] =	vst v2  }
0x83: {  	v0 =	vld.idx.msk [tilespmem:v0+s18+$0x0], $0xffff  }
0x84: {  	v1 =	vld.idx.msk [tilespmem:v1+s23+$0x0], $0xffff;
	_ =	sdelay $0x4  }
0x85: {  	v0 =	vadd.f32 v1, v0;
	_ =	sdelay $0x1  }
0x86: {  	v1 =	vmul.f32 $2.000000030e-01, v0  }
0x87: {  	vm13 =	vge.f32 v0, $0.0e+00  }
0x88: {  	v0 =	vsel vm13, v0, v1  }
0x89: {  	v0 =	vmul.f32 $1.442695020e+00, v0;
	_ =	sdelay $0x1  }
0x8a: {  	(erf) = vpow2.f32 v0;
	_ =	sdelay $0x2  }
0x8b: {  	v0 =	vld [tilespmem:$0x5060]  }
0x8c: {  	v1 =	vld [tilespmem:$0x50E0];
	_ =	sdelay $0x4  }
0x8d: {  	v2 =	vpop (erf)  }
0x8e: {  	[tilespmem:$0x5250] =	vst v2  }
0x8f: {  	v0 =	vld.idx.msk [tilespmem:v0+s18+$0x0], $0xffff  }
0x90: {  	v1 =	vld.idx.msk [tilespmem:v1+s23+$0x0], $0xffff;
	_ =	sdelay $0x4  }
0x91: {  	v0 =	vadd.f32 v1, v0;
	_ =	sdelay $0x1  }
0x92: {  	v1 =	vmul.f32 $2.000000030e-01, v0  }
0x93: {  	vm14 =	vge.f32 v0, $0.0e+00  }
0x94: {  	v0 =	vsel vm14, v0, v1  }
0x95: {  	v0 =	vmul.f32 $1.442695020e+00, v0;
	_ =	sdelay $0x1  }
0x96: {  	(erf) = vpow2.f32 v0;
	_ =	sdelay $0x2  }
0x97: {  	v0 =	vld [tilespmem:$0x5070]  }
0x98: {  	v1 =	vld [tilespmem:$0x50F0];
	_ =	sdelay $0x4  }
0x99: {  	v2 =	vpop (erf)  }
0x9a: {  	[tilespmem:$0x5260] =	vst v2  }
0x9b: {  	v0 =	vld.idx.msk [tilespmem:v0+s18+$0x0], $0xffff  }
0x9c: {  	v1 =	vld.idx.msk [tilespmem:v1+s23+$0x0], $0xffff;
	_ =	sdelay $0x4  }
0x9d: {  	v0 =	vadd.f32 v1, v0;
	_ =	sdelay $0x1  }
0x9e: {  	v1 =	vmul.f32 $2.000000030e-01, v0  }
0x9f: {  	vm15 =	vge.f32 v0, $0.0e+00  }
0xa0: {  	v0 =	vsel vm15, v0, v1  }
0xa1: {  	v0 =	vmul.f32 $1.442695020e+00, v0;
	_ =	sdelay $0x1  }
0xa2: {  	(erf) = vpow2.f32 v0;
	_ =	sdelay $0x8  }
0xa3: {  	v0 =	vpop (erf)  }
0xa4: {  	[tilespmem:$0x5270] =	vst v0;
	v0 =	vmov s18  }
0xa5: {  	v0 =	vand.u32 $0xFFFFFFFE, v0  }
0xa6: {  	v1 =	vbroadcast v0, $0x0;
	_ =	sdelay $0x1  }
0xa7: {  	_ =	swait.ge [sflag:s31], $0x4000  }
0xa8: {  	[sflag:s31] =	ssyncset.done $0x0  }
0xa9: {  	s15 =	simm.s32 $0x5300;
	[sflag:s31] =	ssyncadd.s32 $0xFFFFC000  }
0xaa: {  	v4 =	vld [tilespmem:s15+$0xFFFFFFF0]  }
0xab: {  	v5 =	vld.idx.msk [tilespmem:v1+s0+$0x0], $0xffff  }
0xac: {  	v6 =	vld [tilespmem:s15+$0xFFFFFF80]  }
0xad: {  	v7 =	vld [tilespmem:s15+$0xFFFFFFA0]  }
0xae: {  	v3 =	vld [tilespmem:s15+$0xFFFFFFB0]  }
0xaf: {  	v2 =	vld [tilespmem:s15+$0xFFFFFFD0]  }
0xb0: {  	v9 =	vld [tilespmem:s15+$0xFFFFFF90];
	v4 =	vmul.f32 v4, v5  }
0xb1: {  	v8 =	vld [tilespmem:s15+$0xFFFFFFE0];
	v6 =	vmul.f32 v6, v5  }
0xb2: {  	v10 =	vld [tilespmem:s15+$0xFFFFFFC0];
	v7 =	vmul.f32 v7, v5;
	[tilespmem:s15+$0xFFFFFFF0] =	vst v4  }
0xb3: {  	v3 =	vmul.f32 v3, v5;
	[tilespmem:s15+$0xFFFFFF80] =	vst v6  }
0xb4: {  	s18 =	simm.s32 $0x1;
	v2 =	vmul.f32 v2, v5;
	[tilespmem:s15+$0xFFFFFFA0] =	vst v7  }
0xb5: {  	v4 =	vmul.f32 v9, v5;
	[tilespmem:s15+$0xFFFFFFB0] =	vst v3;
	v6 =	vmov s18  }
0xb6: {  	v0 =	vld [tilespmem:s15+$0x0];
	v3 =	vmul.f32 v8, v5;
	[tilespmem:s15+$0xFFFFFFD0] =	vst v2  }
0xb7: {  	v1 =	vld [tilespmem:s15+$0x10];
	v2 =	vmul.f32 v10, v5;
	[tilespmem:s15+$0xFFFFFF90] =	vst v4  }
0xb8: {  	[tilespmem:s15+$0xFFFFFFE0] =	vst v3;
	v4 =	vld [tilespmem:s15+$0x30]  }
0xb9: {  	[tilespmem:s15+$0xFFFFFFC0] =	vst v2;
	v3 =	vld [tilespmem:s15+$0x70]  }
0xba: {  	s17 =	simm.s32 $0x5300;
	s16 =	simm.s32 $0x2;
	v2 =	vld.idx.msk [tilespmem:v6+s0+$0x0], $0xffff  }
.LBB2_3:
0xbb: {  	p0 =	slt.u32 s16, $0x7E  }
0xbc: {  	v5 =	vld [tilespmem:s15+$0x20];
	s17 =	sadd.s32 $0x100, s17;
	s18 =	smov.u32 s16;
	s16 =	sadd.s32 $0x2, s16  }
0xbd: {  	v6 =	vld [tilespmem:s15+$0x40]  }
0xbe: {  	v7 =	vld [tilespmem:s15+$0x50]  }
0xbf: {  	v8 =	vld [tilespmem:s15+$0x60];
	_ =	sdelay $0x1  }
0xc0: {  	v0 =	vmul.f32 v0, v2;
	v1 =	vmul.f32 v1, v2  }
0xc1: {  	v4 =	vmul.f32 v4, v2;
	v5 =	vmul.f32 v5, v2  }
0xc2: {  	v9 =	vmov s18;
	v6 =	vmul.f32 v6, v2;
	[tilespmem:s15+$0x0] =	vst v0;
	v7 =	vmul.f32 v7, v2  }
0xc3: {  	v9 =	vand.u32 $0xFFFFFFFE, v9;
	v0 =	vld [tilespmem:s17+$0x0];
	[tilespmem:s15+$0x30] =	vst v4;
	v4 =	vmul.f32 v8, v2;
	v2 =	vmul.f32 v3, v2  }
0xc4: {  	v3 =	vbroadcast v9, $0x0;
	[tilespmem:s15+$0x10] =	vst v1  }
0xc5: {  	[tilespmem:s15+$0x70] =	vst v2  }
0xc6: {  	v2 =	vld [tilespmem:s17+$0xFFFFFFD0];
	[tilespmem:s15+$0x20] =	vst v5  }
0xc7: {  	v5 =	vld [tilespmem:s17+$0xFFFFFFB0];
	[tilespmem:s15+$0x60] =	vst v4  }
0xc8: {  	v4 =	vld [tilespmem:s17+$0xFFFFFFE0];
	[tilespmem:s15+$0x40] =	vst v6  }
0xc9: {  	v6 =	vld [tilespmem:s17+$0xFFFFFFF0];
	[tilespmem:s15+$0x50] =	vst v7;
	s15 =	smov.u32 s17  }
0xca: {  	v3 =	vld.idx.msk [tilespmem:v3+s0+$0x0], $0xffff  }
0xcb: {  	v7 =	vld [tilespmem:s17+$0xFFFFFF80]  }
0xcc: {  	v8 =	vld [tilespmem:s17+$0xFFFFFFA0]  }
0xcd: {  	v9 =	vld [tilespmem:s17+$0xFFFFFF90]  }
0xce: {  	v10 =	vld [tilespmem:s17+$0xFFFFFFC0]  }
0xcf: {  	v1 =	vld [tilespmem:s17+$0x10]  }
0xd0: {  	v6 =	vmul.f32 v6, v3;
	v7 =	vmul.f32 v7, v3  }
0xd1: {  	v4 =	vmul.f32 v4, v3;
	v8 =	vmul.f32 v8, v3  }
0xd2: {  	v5 =	vmul.f32 v5, v3;
	v9 =	vmul.f32 v9, v3;
	[tilespmem:s17+$0xFFFFFFF0] =	vst v6  }
0xd3: {  	v2 =	vmul.f32 v2, v3;
	[tilespmem:s17+$0xFFFFFF80] =	vst v7;
	v6 =	vmul.f32 v10, v3  }
0xd4: {  	s18 =	sadd.s32 $0x1, s18;
	[tilespmem:s17+$0xFFFFFFA0] =	vst v8  }
0xd5: {  	[tilespmem:s17+$0xFFFFFFB0] =	vst v5;
	v5 =	vmov s18  }
.Ltmp0:
0xd6: {  	[tilespmem:s17+$0xFFFFFFD0] =	vst v2;
	(pc) =	sbr.rel @p0 .LBB2_3-.Ltmp0, $4  }
0xd7: {  	[tilespmem:s17+$0xFFFFFF90] =	vst v9  }
0xd8: {  	[tilespmem:s17+$0xFFFFFFE0] =	vst v4;
	v4 =	vld [tilespmem:s17+$0x30]  }
0xd9: {  	[tilespmem:s17+$0xFFFFFFC0] =	vst v6;
	v3 =	vld [tilespmem:s17+$0x70]  }
0xda: {  	v2 =	vld.idx.msk [tilespmem:v5+s0+$0x0], $0xffff  }
0xdb: {  	_ =	sdelay $0x2  }
0xdc: {  	v5 =	vld [tilespmem:s15+$0x20]  }
0xdd: {  	v6 =	vld [tilespmem:s15+$0x60];
	v0 =	vmul.f32 v0, v2  }
0xde: {  	v7 =	vld [tilespmem:s15+$0x40];
	v4 =	vmul.f32 v4, v2  }
0xdf: {  	v8 =	vld [tilespmem:s15+$0x50];
	v1 =	vmul.f32 v1, v2;
	[tilespmem:s15+$0x0] =	vst v0  }
0xe0: {  	[tilespmem:s15+$0x30] =	vst v4;
	v0 =	vmul.f32 v3, v2  }
0xe1: {  	v3 =	vmul.f32 v5, v2;
	[tilespmem:s15+$0x10] =	vst v1  }
0xe2: {  	v1 =	vmul.f32 v6, v2;
	[tilespmem:s15+$0x70] =	vst v0  }
0xe3: {  	v0 =	vmul.f32 v7, v2;
	[tilespmem:s15+$0x20] =	vst v3  }
0xe4: {  	v2 =	vmul.f32 v8, v2;
	[tilespmem:s15+$0x60] =	vst v1  }
0xe5: {  	[tilespmem:s15+$0x40] =	vst v0  }
0xe6: {  	[tilespmem:s15+$0x50] =	vst v2  }
0xe7: {  	[spmem:s3] =	stream.indirect.scatter.add.f32 [tilespmem:s30], [sflag:$0x3], $0x80, s25, s29, $0xb8;
	[tilespmem:$0x1D500] =	vst v63  }
0xe8: {  	_ = 	snop  }
0xe9: {  	[spmem:s4] =	stream.indirect.scatter.add.f32 [tilespmem:s0], [sflag:$0x3], $0x1, s25, s29, $0xb8;
	[tilespmem:$0x1D500] =	vst v63  }
0xea: {  	_ =	swait.ge [sflag:s6], $0x80  }
0xeb: {  	[sflag:s6] =	ssyncset.done $0x0  }
0xec: {  	[sflag:s6] =	ssyncadd.s32 $0xFFFFFF80  }
0xed: {  	_ =	swait.ge [sflag:s6], $0x80  }
0xee: {  	[sflag:s6] =	ssyncset.done $0x0  }
0xef: {  	[sflag:s6] =	ssyncadd.s32 $0xFFFFFF80  }
0xf0: {  	_ =	swait.ge [sflag:s8], $0x4000  }
0xf1: {  	p0 =	sgt.u32 s14, $0x4E;
	[sflag:s8] =	ssyncset.done $0x0  }
0xf2: {  	s12 =	sadd.s32 @!p0 s12, s13;
	[sflag:s8] =	ssyncadd.s32 $0xFFFFC000  }
0xf3: {  	s12 =	sshll.u32 @!p0 s12, $0x4;
	_ =	swait.ge [sflag:s8], $0x80  }
0xf4: {  	s16 =	simm.s32 @!p0 $0x5000;
	s12 =	sand.u32 @!p0 $0x1FFFFFE0, s12;
	[sflag:s8] =	ssyncset.done $0x0  }
0xf5: {  	s14 =	sadd.s32 @!p0 s1, s12;
	s15 =	simm.s32 @!p0 $0x0;
	[sflag:s8] =	ssyncadd.s32 $0xFFFFFF80  }
0xf6: {  	[tilespmem:s16], [sflag:$0x1] =	stream.linear.gather @!p0 [hbm4b:s14+s15], $0x80, $0x38;
	[tilespmem:$0x1D500] =	vst v63  }
0xf7: {  	s12 =	sadd.s32 @!p0 s7, s12;
	s14 =	simm.s32 @!p0 $0x5080  }
0xf8: {  	[tilespmem:s14], [sflag:$0x1] =	stream.linear.gather @!p0 [hbm4b:s12+s15], $0x80, $0x38;
	[tilespmem:$0x1D500] =	vst v63  }
0xf9: {  	_ = 	snop  }
0xfa: {  	[tilespmem:s30], [sflag:$0x2] =	stream.indirect.gather [hbm4b:s2+s29], $0x80, s26, s29, $0xb8;
	[tilespmem:$0x1D500] =	vst v63  }
0xfb: {  	v0 =	vld [tilespmem:$0x5100]  }
0xfc: {  	v1 =	vld [tilespmem:$0x5180];
	_ =	sdelay $0x5  }
0xfd: {  	s17 =	simm.s32 $0x0  }
0xfe: {  	v0 =	vld.idx.msk [tilespmem:v0+s17+$0x0], $0xffff  }
0xff: {  	v1 =	vld.idx.msk [tilespmem:v1+s23+$0x0], $0xffff;
	_ =	sdelay $0x4  }
0x100: {  	v0 =	vadd.f32 v1, v0;
	_ =	sdelay $0x1  }
0x101: {  	v1 =	vmul.f32 $2.000000030e-01, v0  }
0x102: {  	vm0 =	vge.f32 v0, $0.0e+00  }
0x103: {  	v0 =	vsel vm0, v0, v1  }
0x104: {  	v0 =	vmul.f32 $1.442695020e+00, v0;
	_ =	sdelay $0x1  }
0x105: {  	(erf) = vpow2.f32 v0;
	_ =	sdelay $0x2  }
0x106: {  	v0 =	vld [tilespmem:$0x5110]  }
0x107: {  	v1 =	vld [tilespmem:$0x5190];
	_ =	sdelay $0x4  }
0x108: {  	v2 =	vpop (erf)  }
0x109: {  	[tilespmem:$0x5200] =	vst v2  }
0x10a: {  	v0 =	vld.idx.msk [tilespmem:v0+s17+$0x0], $0xffff  }
0x10b: {  	v1 =	vld.idx.msk [tilespmem:v1+s23+$0x0], $0xffff;
	_ =	sdelay $0x4  }
0x10c: {  	v0 =	vadd.f32 v1, v0;
	_ =	sdelay $0x1  }
0x10d: {  	v1 =	vmul.f32 $2.000000030e-01, v0  }
0x10e: {  	vm9 =	vge.f32 v0, $0.0e+00  }
0x10f: {  	v0 =	vsel vm9, v0, v1  }
0x110: {  	v0 =	vmul.f32 $1.442695020e+00, v0;
	_ =	sdelay $0x1  }
0x111: {  	(erf) = vpow2.f32 v0;
	_ =	sdelay $0x2  }
0x112: {  	v0 =	vld [tilespmem:$0x5120]  }
0x113: {  	v1 =	vld [tilespmem:$0x51A0];
	_ =	sdelay $0x4  }
0x114: {  	v2 =	vpop (erf)  }
0x115: {  	[tilespmem:$0x5210] =	vst v2  }
0x116: {  	v0 =	vld.idx.msk [tilespmem:v0+s17+$0x0], $0xffff  }
0x117: {  	v1 =	vld.idx.msk [tilespmem:v1+s23+$0x0], $0xffff;
	_ =	sdelay $0x4  }
0x118: {  	v0 =	vadd.f32 v1, v0;
	_ =	sdelay $0x1  }
0x119: {  	v1 =	vmul.f32 $2.000000030e-01, v0  }
0x11a: {  	vm10 =	vge.f32 v0, $0.0e+00  }
0x11b: {  	v0 =	vsel vm10, v0, v1  }
0x11c: {  	v0 =	vmul.f32 $1.442695020e+00, v0;
	_ =	sdelay $0x1  }
0x11d: {  	(erf) = vpow2.f32 v0;
	_ =	sdelay $0x2  }
0x11e: {  	v0 =	vld [tilespmem:$0x5130]  }
0x11f: {  	v1 =	vld [tilespmem:$0x51B0];
	_ =	sdelay $0x4  }
0x120: {  	v2 =	vpop (erf)  }
0x121: {  	[tilespmem:$0x5220] =	vst v2  }
0x122: {  	v0 =	vld.idx.msk [tilespmem:v0+s17+$0x0], $0xffff  }
0x123: {  	v1 =	vld.idx.msk [tilespmem:v1+s23+$0x0], $0xffff;
	_ =	sdelay $0x4  }
0x124: {  	v0 =	vadd.f32 v1, v0;
	_ =	sdelay $0x1  }
0x125: {  	v1 =	vmul.f32 $2.000000030e-01, v0  }
0x126: {  	vm11 =	vge.f32 v0, $0.0e+00  }
0x127: {  	v0 =	vsel vm11, v0, v1  }
0x128: {  	v0 =	vmul.f32 $1.442695020e+00, v0;
	_ =	sdelay $0x1  }
0x129: {  	(erf) = vpow2.f32 v0;
	_ =	sdelay $0x2  }
0x12a: {  	v0 =	vld [tilespmem:$0x5140]  }
0x12b: {  	v1 =	vld [tilespmem:$0x51C0];
	_ =	sdelay $0x4  }
0x12c: {  	v2 =	vpop (erf)  }
0x12d: {  	[tilespmem:$0x5230] =	vst v2  }
0x12e: {  	v0 =	vld.idx.msk [tilespmem:v0+s17+$0x0], $0xffff  }
0x12f: {  	v1 =	vld.idx.msk [tilespmem:v1+s23+$0x0], $0xffff;
	_ =	sdelay $0x4  }
0x130: {  	v0 =	vadd.f32 v1, v0;
	_ =	sdelay $0x1  }
0x131: {  	v1 =	vmul.f32 $2.000000030e-01, v0  }
0x132: {  	vm12 =	vge.f32 v0, $0.0e+00  }
0x133: {  	v0 =	vsel vm12, v0, v1  }
0x134: {  	v0 =	vmul.f32 $1.442695020e+00, v0;
	_ =	sdelay $0x1  }
0x135: {  	(erf) = vpow2.f32 v0;
	_ =	sdelay $0x2  }
0x136: {  	v0 =	vld [tilespmem:$0x5150]  }
0x137: {  	v1 =	vld [tilespmem:$0x51D0];
	_ =	sdelay $0x4  }
0x138: {  	v2 =	vpop (erf)  }
0x139: {  	[tilespmem:$0x5240] =	vst v2  }
0x13a: {  	v0 =	vld.idx.msk [tilespmem:v0+s17+$0x0], $0xffff  }
0x13b: {  	v1 =	vld.idx.msk [tilespmem:v1+s23+$0x0], $0xffff;
	_ =	sdelay $0x4  }
0x13c: {  	v0 =	vadd.f32 v1, v0;
	_ =	sdelay $0x1  }
0x13d: {  	v1 =	vmul.f32 $2.000000030e-01, v0  }
0x13e: {  	vm13 =	vge.f32 v0, $0.0e+00  }
0x13f: {  	v0 =	vsel vm13, v0, v1  }
0x140: {  	v0 =	vmul.f32 $1.442695020e+00, v0;
	_ =	sdelay $0x1  }
0x141: {  	(erf) = vpow2.f32 v0;
	_ =	sdelay $0x2  }
0x142: {  	v0 =	vld [tilespmem:$0x5160]  }
0x143: {  	v1 =	vld [tilespmem:$0x51E0];
	_ =	sdelay $0x4  }
0x144: {  	v2 =	vpop (erf)  }
0x145: {  	[tilespmem:$0x5250] =	vst v2  }
0x146: {  	v0 =	vld.idx.msk [tilespmem:v0+s17+$0x0], $0xffff  }
0x147: {  	v1 =	vld.idx.msk [tilespmem:v1+s23+$0x0], $0xffff;
	_ =	sdelay $0x4  }
0x148: {  	v0 =	vadd.f32 v1, v0;
	_ =	sdelay $0x1  }
0x149: {  	v1 =	vmul.f32 $2.000000030e-01, v0  }
0x14a: {  	vm14 =	vge.f32 v0, $0.0e+00  }
0x14b: {  	v0 =	vsel vm14, v0, v1  }
0x14c: {  	v0 =	vmul.f32 $1.442695020e+00, v0;
	_ =	sdelay $0x1  }
0x14d: {  	(erf) = vpow2.f32 v0;
	_ =	sdelay $0x2  }
0x14e: {  	v0 =	vld [tilespmem:$0x5170]  }
0x14f: {  	v1 =	vld [tilespmem:$0x51F0];
	_ =	sdelay $0x4  }
0x150: {  	v2 =	vpop (erf)  }
0x151: {  	[tilespmem:$0x5260] =	vst v2  }
0x152: {  	v0 =	vld.idx.msk [tilespmem:v0+s17+$0x0], $0xffff  }
0x153: {  	v1 =	vld.idx.msk [tilespmem:v1+s23+$0x0], $0xffff;
	_ =	sdelay $0x4  }
0x154: {  	v0 =	vadd.f32 v1, v0;
	_ =	sdelay $0x1  }
0x155: {  	v1 =	vmul.f32 $2.000000030e-01, v0  }
0x156: {  	vm15 =	vge.f32 v0, $0.0e+00  }
0x157: {  	v0 =	vsel vm15, v0, v1  }
0x158: {  	v0 =	vmul.f32 $1.442695020e+00, v0;
	_ =	sdelay $0x1  }
0x159: {  	(erf) = vpow2.f32 v0;
	_ =	sdelay $0x8  }
0x15a: {  	v0 =	vpop (erf)  }
0x15b: {  	[tilespmem:$0x5270] =	vst v0;
	v0 =	vmov s17  }
0x15c: {  	v0 =	vand.u32 $0xFFFFFFFE, v0  }
0x15d: {  	v1 =	vbroadcast v0, $0x0;
	_ =	sdelay $0x1  }
0x15e: {  	_ =	swait.ge [sflag:s31], $0x4000  }
0x15f: {  	[sflag:s31] =	ssyncset.done $0x0  }
0x160: {  	s12 =	simm.s32 $0x5300;
	[sflag:s31] =	ssyncadd.s32 $0xFFFFC000  }
0x161: {  	v4 =	vld [tilespmem:s12+$0xFFFFFFF0]  }
0x162: {  	v5 =	vld.idx.msk [tilespmem:v1+s0+$0x0], $0xffff  }
0x163: {  	v6 =	vld [tilespmem:s12+$0xFFFFFF80]  }
0x164: {  	v7 =	vld [tilespmem:s12+$0xFFFFFFA0]  }
0x165: {  	v3 =	vld [tilespmem:s12+$0xFFFFFFB0]  }
0x166: {  	v2 =	vld [tilespmem:s12+$0xFFFFFFD0]  }
0x167: {  	v9 =	vld [tilespmem:s12+$0xFFFFFF90];
	v4 =	vmul.f32 v4, v5  }
0x168: {  	v63 =	vld [tilespmem:s12+$0xFFFFFFE0];
	v6 =	vmul.f32 v6, v5  }
0x169: {  	v10 =	vld [tilespmem:s12+$0xFFFFFFC0];
	v7 =	vmul.f32 v7, v5;
	[tilespmem:s12+$0xFFFFFFF0] =	vst v4  }
0x16a: {  	v3 =	vmul.f32 v3, v5;
	[tilespmem:s12+$0xFFFFFF80] =	vst v6  }
0x16b: {  	s18 =	simm.s32 $0x1;
	v2 =	vmul.f32 v2, v5;
	[tilespmem:s12+$0xFFFFFFA0] =	vst v7  }
0x16c: {  	v4 =	vmul.f32 v9, v5;
	[tilespmem:s12+$0xFFFFFFB0] =	vst v3;
	v6 =	vmov s18  }
0x16d: {  	v0 =	vld [tilespmem:s12+$0x0];
	v3 =	vmul.f32 v63, v5;
	[tilespmem:s12+$0xFFFFFFD0] =	vst v2  }
0x16e: {  	v1 =	vld [tilespmem:s12+$0x10];
	v2 =	vmul.f32 v10, v5;
	[tilespmem:s12+$0xFFFFFF90] =	vst v4  }
0x16f: {  	[tilespmem:s12+$0xFFFFFFE0] =	vst v3;
	v4 =	vld [tilespmem:s12+$0x30]  }
0x170: {  	[tilespmem:s12+$0xFFFFFFC0] =	vst v2;
	v3 =	vld [tilespmem:s12+$0x70]  }
0x171: {  	s14 =	simm.s32 $0x2;
	s15 =	simm.s32 $0x5300;
	v2 =	vld.idx.msk [tilespmem:v6+s0+$0x0], $0xffff  }
.LBB2_5:
0x172: {  	p1 =	slt.u32 s14, $0x7E  }
0x173: {  	v5 =	vld [tilespmem:s12+$0x20];
	s15 =	sadd.s32 $0x100, s15;
	s16 =	smov.u32 s14;
	s14 =	sadd.s32 $0x2, s14  }
0x174: {  	v6 =	vld [tilespmem:s12+$0x40]  }
0x175: {  	v7 =	vld [tilespmem:s12+$0x50]  }
0x176: {  	v8 =	vld [tilespmem:s12+$0x60];
	_ =	sdelay $0x1  }
0x177: {  	v0 =	vmul.f32 v0, v2;
	v1 =	vmul.f32 v1, v2  }
0x178: {  	v4 =	vmul.f32 v4, v2;
	v5 =	vmul.f32 v5, v2  }
0x179: {  	v9 =	vmov s16;
	v6 =	vmul.f32 v6, v2;
	[tilespmem:s12+$0x0] =	vst v0;
	v7 =	vmul.f32 v7, v2  }
0x17a: {  	v9 =	vand.u32 $0xFFFFFFFE, v9;
	v0 =	vld [tilespmem:s15+$0x0];
	[tilespmem:s12+$0x30] =	vst v4;
	v4 =	vmul.f32 v8, v2;
	v2 =	vmul.f32 v3, v2  }
0x17b: {  	v3 =	vbroadcast v9, $0x0;
	[tilespmem:s12+$0x10] =	vst v1  }
0x17c: {  	[tilespmem:s12+$0x70] =	vst v2  }
0x17d: {  	v2 =	vld [tilespmem:s15+$0xFFFFFFD0];
	[tilespmem:s12+$0x20] =	vst v5  }
0x17e: {  	v5 =	vld [tilespmem:s15+$0xFFFFFFB0];
	[tilespmem:s12+$0x60] =	vst v4  }
0x17f: {  	v4 =	vld [tilespmem:s15+$0xFFFFFFE0];
	[tilespmem:s12+$0x40] =	vst v6  }
0x180: {  	v6 =	vld [tilespmem:s15+$0xFFFFFFF0];
	[tilespmem:s12+$0x50] =	vst v7;
	s12 =	smov.u32 s15  }
0x181: {  	v3 =	vld.idx.msk [tilespmem:v3+s0+$0x0], $0xffff  }
0x182: {  	v7 =	vld [tilespmem:s15+$0xFFFFFF80]  }
0x183: {  	v8 =	vld [tilespmem:s15+$0xFFFFFFA0]  }
0x184: {  	v9 =	vld [tilespmem:s15+$0xFFFFFF90]  }
0x185: {  	v10 =	vld [tilespmem:s15+$0xFFFFFFC0]  }
0x186: {  	v1 =	vld [tilespmem:s15+$0x10]  }
0x187: {  	v6 =	vmul.f32 v6, v3;
	v7 =	vmul.f32 v7, v3  }
0x188: {  	v4 =	vmul.f32 v4, v3;
	v8 =	vmul.f32 v8, v3  }
0x189: {  	v5 =	vmul.f32 v5, v3;
	v9 =	vmul.f32 v9, v3;
	[tilespmem:s15+$0xFFFFFFF0] =	vst v6  }
0x18a: {  	v2 =	vmul.f32 v2, v3;
	[tilespmem:s15+$0xFFFFFF80] =	vst v7;
	v6 =	vmul.f32 v10, v3  }
0x18b: {  	s16 =	sadd.s32 $0x1, s16;
	[tilespmem:s15+$0xFFFFFFA0] =	vst v8  }
0x18c: {  	[tilespmem:s15+$0xFFFFFFB0] =	vst v5;
	v5 =	vmov s16  }
.Ltmp1:
0x18d: {  	[tilespmem:s15+$0xFFFFFFD0] =	vst v2;
	(pc) =	sbr.rel @p1 .LBB2_5-.Ltmp1, $4  }
0x18e: {  	[tilespmem:s15+$0xFFFFFF90] =	vst v9  }
0x18f: {  	[tilespmem:s15+$0xFFFFFFE0] =	vst v4;
	v4 =	vld [tilespmem:s15+$0x30]  }
0x190: {  	[tilespmem:s15+$0xFFFFFFC0] =	vst v6;
	v3 =	vld [tilespmem:s15+$0x70]  }
0x191: {  	v2 =	vld.idx.msk [tilespmem:v5+s0+$0x0], $0xffff  }
0x192: {  	_ =	sdelay $0x2  }
0x193: {  	v5 =	vld [tilespmem:s12+$0x20]  }
0x194: {  	v6 =	vld [tilespmem:s12+$0x60];
	v0 =	vmul.f32 v0, v2  }
0x195: {  	v7 =	vld [tilespmem:s12+$0x40];
	v4 =	vmul.f32 v4, v2  }
0x196: {  	v8 =	vld [tilespmem:s12+$0x50];
	v1 =	vmul.f32 v1, v2;
	[tilespmem:s12+$0x0] =	vst v0  }
0x197: {  	v59 =	vmul.f32 v3, v2;
	[tilespmem:s12+$0x30] =	vst v4  }
0x198: {  	v60 =	vmul.f32 v5, v2;
	[tilespmem:s12+$0x10] =	vst v1  }
0x199: {  	v61 =	vmul.f32 v6, v2;
	[tilespmem:s12+$0x70] =	vst v59  }
0x19a: {  	v62 =	vmul.f32 v7, v2;
	[tilespmem:s12+$0x20] =	vst v60  }
0x19b: {  	v63 =	vmul.f32 v8, v2;
	[tilespmem:s12+$0x60] =	vst v61  }
0x19c: {  	[tilespmem:s12+$0x40] =	vst v62  }
0x19d: {  	[tilespmem:s12+$0x50] =	vst v63  }
0x19e: {  	[spmem:s3] =	stream.indirect.scatter.add.f32 [tilespmem:s30], [sflag:$0x3], $0x80, s28, s29, $0xb8;
	[tilespmem:$0x1D500] =	vst v63  }
0x19f: {  	s11 =	sadd.s32 $0x1, s11;
	s12 =	simm.s32 @!p0 $0x1  }
0x1a0: {  	[spmem:s4] =	stream.indirect.scatter.add.f32 [tilespmem:s0], [sflag:$0x3], $0x1, s28, s29, $0xb8;
	[tilespmem:$0x1D500] =	vst v63  }
0x1a1: {  	p1 =	sne.s32 s11, $0x28;
	_ =	swait.ge @!p0 [sflag:s12], $0x80  }
.Ltmp2:
0x1a2: {  	[sflag:s12] =	ssyncset.done @!p0 $0x0;
	(pc) =	sbr.rel @p1 .LBB2_2-.Ltmp2, $4  }
0x1a3: {  	[sflag:s12] =	ssyncadd.s32 @!p0 $0xFFFFFF80  }
0x1a4: {  	_ =	swait.ge @!p0 [sflag:s12], $0x80  }
0x1a5: {  	[sflag:s12] =	ssyncset.done @!p0 $0x0  }
0x1a6: {  	[sflag:s12] =	ssyncadd.s32 @!p0 $0xFFFFFF80  }
0x1a7: {  	_ =	swait.ge [sflag:s8], $0x4000  }
0x1a8: {  	[sflag:s8] =	ssyncset.done $0x0  }
0x1a9: {  	[sflag:s8] =	ssyncadd.s32 $0xFFFFC000  }
0x1aa: {  	_ =	swait.ge [sflag:s8], $0x80  }
0x1ab: {  	[sflag:s8] =	ssyncset.done $0x0  }
0x1ac: {  	[sflag:s8] =	ssyncadd.s32 $0xFFFFFF80  }
0x1ad: {  	[bflag:$0x0] =	sbarrier.arrive $0xFFFF  }
0x1ae: {  	s11 =	rddreg [dreg:$0x9]  }
0x1af: {  	[hbm:s11], [sflag:s19] =	dma.local [spmem:s20], $0x2800  }
0x1b0: {  	_ =	swait.ge [sflag:s21], $0x2800  }
0x1b1: {  	s12 =	simm.s32 $0x20;
	[sflag:s21] =	ssyncset.done $0x0  }
0x1b2: {  	s14 =	simm.s32 $0x10;
	s17 =	rddreg [dreg:$0xa];
	[sflag:s21] =	ssyncadd.s32 $0xFFFFD800  }
0x1b3: {  	[hbm:s17@s12], [sflag:s19] =	dma.strided [spmem:s22@s14], $0x50, s6, $0x10   }
0x1b4: {  	_ =	swait.ge [sflag:s21], $0x50  }
0x1b5: {  	s9 =	sadd.s32 $0x1, s9;
	s18 =	rddreg [dreg:$0xb]  }
0x1b6: {  	p0 =	sne.s32 s9, s18  }
.Ltmp3:
0x1b7: {  	_ = 	snop;
	(pc) =	sbr.rel @p0 .LBB2_1-.Ltmp3, $3  }
0x1b8: {  	_ =	sdelay $0x1  }
0x1b9: {  	[sflag:s21] =	ssyncset.done $0x0  }
0x1ba: {  	[sflag:s21] =	ssyncadd.s32 $0xFFFFFFB0  }
0x1bb: {  	_ =	sfence.sel $0x180000  }
0x1bc: {  	[bflag:$0x0] =	sbarrier.arrive $0xFFFF  }
0x1bd: {  	_ =	strace $0x90000047  }
0x1be: {  	s0 =	stileid.u32;
	[bflag:$0x2] =	sbarrier.arrive $0xFFFF  }
0x1bf: {  	p0 =	sne.s32 s0, $0x0;
	s0 =	rddreg [dreg:$0x4]  }
0x1c0: {  	s0 =	sadd.s32 @!p0 $0x100000, s0  }
0x1c1: {  	[sflag:s0] =	ssyncadd.tile.s32 @!p0 $0x1;
	_ =	shalt  }
.Lfunc_end2:
_tile_overlayer_lowered:
.L_overlay_start_2:
0x1c2: {  	(tag) =	ssettag $0x2  }
0x1c3: {  	s0 =	rddreg [dreg:$0x0];
	s2 =	stileid.u32  }
0x1c4: {  	s1 =	rddreg [dreg:$0x1];
	p0 =	sne.s32 s2, $0x0  }
0x1c5: {  	s3 =	rddreg [dreg:$0x2];
	[bflag:$0x3] =	sbarrier.arrive $0xFFFF;
	s2 =	simm.s32 @!p0 $0x1C04  }
0x1c6: {  	[timem:s3], [sflag:s2] =	dma.local @!p0 [hbm:s0], s1  }
0x1c7: {  	s0 =	simm.s32 @!p0 $0x4  }
0x1c8: {  	_ =	swait.ge @!p0 [sflag:s0], s1  }
0x1c9: {  	s1 =	ssub.s32 @!p0 $0x0, s1;
	[sflag:s0] =	ssyncset.done @!p0 $0x0  }
0x1ca: {  	[sflag:s0] =	ssyncadd.s32 @!p0 s1  }
0x1cb: {  	[bflag:$0x3] =	sbarrier.arrive $0xFFFF  }
0x1cc: {  	_ =	shalt  }

</sc_bundles>
